<compile_context>
chip_gen: v7x
topology: tpu7x:2x2x1
jax: 0.10.2.dev20260603
libtpu: 0.0.44.dev20260713+nightly
codegen_flags: <defaults>
</compile_context>

<pallas_src>
import functools

import jax
import jax.numpy as jnp
from jax import lax
from jax.experimental import pallas as pl
from jax.experimental.pallas import tpu as pltpu
from jax.experimental.pallas import tpu_sc as plsc

NUM_CORES = 2
NUM_SUBCORES = 16
NUM_WORKERS = NUM_CORES * NUM_SUBCORES

CH = 8
NBUF = 3


@functools.lru_cache(maxsize=None)
def _make_gather(BATCH, SEQ, D):
    B = BATCH * SEQ
    b_per_w = B // NUM_WORKERS
    n_ch = b_per_w // CH
    w_per_row = SEQ // b_per_w
    assert b_per_w * NUM_WORKERS == B and b_per_w % 8 == 0
    assert w_per_row * b_per_w == SEQ
    assert n_ch * CH == b_per_w and (n_ch - 5) % NBUF == 0 and n_ch >= 8

    mesh = plsc.VectorSubcoreMesh(core_axis_name="c", subcore_axis_name="s")

    @functools.partial(
        pl.kernel,
        mesh=mesh,
        out_type=jax.ShapeDtypeStruct((B, D), jnp.float32),
        scratch_types=[
            pltpu.VMEM((b_per_w,), jnp.int32),
            *[pltpu.VMEM((CH, D), jnp.float32) for _ in range(NBUF)],
            *[pltpu.SemaphoreType.DMA for _ in range(2 * NBUF)],
        ],
    )
    def gather_kernel(table_hbm, idx_hbm, out_hbm, idx_v, *bufs_sems):
        slots = bufs_sems[:NBUF]
        gsem = bufs_sems[NBUF:2 * NBUF]
        osem = bufs_sems[2 * NBUF:3 * NBUF]

        wid = lax.axis_index("s") * NUM_CORES + lax.axis_index("c")
        base = wid * b_per_w
        row = wid // w_per_row
        col = (wid % w_per_row) * b_per_w
        pltpu.sync_copy(idx_hbm.at[row, pl.ds(col, b_per_w)], idx_v)

        def g_start(c, s):
            pltpu.async_copy(table_hbm.at[idx_v.at[pl.ds(c * CH, CH)]],
                             slots[s], gsem[s], priority=1)

        def g_wait(c, s):
            pltpu.make_async_copy(table_hbm.at[idx_v.at[pl.ds(c * CH, CH)]],
                                  slots[s], gsem[s]).wait()

        def s_start(c, s):
            pltpu.async_copy(slots[s], out_hbm.at[pl.ds(base + c * CH, CH)],
                             osem[s])

        def s_wait(c, s):
            pltpu.make_async_copy(slots[s],
                                  out_hbm.at[pl.ds(base + c * CH, CH)],
                                  osem[s]).wait()

        g_start(0, 0)
        g_start(1, 1)
        g_start(2, 2)
        g_wait(0, 0)
        s_start(0, 0)
        g_wait(1, 1)
        s_wait(0, 0)
        g_start(3, 0)
        s_start(1, 1)
        g_wait(2, 2)
        s_wait(1, 1)
        g_start(4, 1)
        s_start(2, 2)

        @pl.loop(3, n_ch - 2, step=NBUF)
        def _(k):
            for b in range(NBUF):
                c = k + b
                s = b
                g_wait(c, s)
                s_start(c, s)
                s_wait(c - 1, (s + 2) % NBUF)
                g_start(c + 2, (s + 2) % NBUF)

        for c in (n_ch - 2, n_ch - 1):
            g_wait(c, c % NBUF)
            s_start(c, c % NBUF)
        for c in (n_ch - 3, n_ch - 2, n_ch - 1):
            s_wait(c, c % NBUF)

    return gather_kernel


def kernel(input_ids, embed_table):
    batch, seq = input_ids.shape
    vocab, d = embed_table.shape
    out = _make_gather(batch, seq, d)(embed_table,
                                      input_ids.astype(jnp.int32))
    return out.reshape(batch, seq, d)

# --- scband reference (transcript-rebuilt; emitter-appended) ---
"""Pipeline reference for scband-multi-gpumodel-wrapper-22308060136147 (READ-ONLY COPY).

The authoritative reference and input builder live on the scoring server;
editing this copy changes nothing except your own understanding.
"""

import jax, jax.numpy as jnp
import numpy as np

VOCAB = 100000
D_MODEL = 4096
BATCH = 4
SEQ = 2048


def setup_inputs(seed: int = 0) -> dict:
    key = jax.random.key(seed)
    k_ids, k_tab = jax.random.split(key)
    input_ids = jax.random.randint(k_ids, (BATCH, SEQ), 0, VOCAB, dtype=jnp.int64 if jax.config.jax_enable_x64 else jnp.int32)
    embed_table = jax.random.normal(k_tab, (VOCAB, D_MODEL), dtype=jnp.float32) * 0.02
    return {"input_ids": input_ids, "embed_table": embed_table}


def reference(input_ids, embed_table):
    # _MultiGPUModelWrapper.__call__: input_ids is provided, inputs_embeds is None,
    # and an embed_tokens module was found -> compute inputs_embeds = embed(input_ids)
    # (on the embed device), then call the wrapped model with inputs_embeds.
    inputs_embeds = jnp.take(embed_table, input_ids, axis=0)
    # The wrapped HF model is opaque here; its first pipeline stage consumes
    # inputs_embeds directly (input_ids=None). We model the wrapper's own
    # contribution: the embedding gather producing the hidden-state tensor
    # handed to the device-mapped model.
    return inputs_embeds

if __name__ == "__main__":
    import jax
    _d = setup_inputs()
    print(jax.jit(kernel)(*tuple(_d.values())))

</pallas_src>

<mosaic_0001>
#map = affine_map<(d0, d1) -> (0, 0)>
module attributes {stable_mosaic.version = 14 : i64} {
  func.func @gather_kernel(%arg0: i32, %arg1: i32, %arg2: memref<100000x4096xf32, #tpu.memory_space<hbm>>, %arg3: memref<4x2048xi32, #tpu.memory_space<hbm>>, %arg4: memref<8192x4096xf32, #tpu.memory_space<hbm>>, %arg5: memref<256xi32, #tpu.memory_space<vmem>>, %arg6: memref<8x4096xf32, #tpu.memory_space<vmem>>, %arg7: memref<8x4096xf32, #tpu.memory_space<vmem>>, %arg8: memref<8x4096xf32, #tpu.memory_space<vmem>>, %arg9: memref<!tpu.dma_semaphore, #tpu.memory_space<semaphore_mem>>, %arg10: memref<!tpu.dma_semaphore, #tpu.memory_space<semaphore_mem>>, %arg11: memref<!tpu.dma_semaphore, #tpu.memory_space<semaphore_mem>>, %arg12: memref<!tpu.dma_semaphore, #tpu.memory_space<semaphore_mem>>, %arg13: memref<!tpu.dma_semaphore, #tpu.memory_space<semaphore_mem>>, %arg14: memref<!tpu.dma_semaphore, #tpu.memory_space<semaphore_mem>>) attributes {dimension_semantics = [#tpu.dimension_semantics<core_parallel>, #tpu.dimension_semantics<subcore_parallel>], iteration_bounds = array<i64: 2, 16>, scalar_prefetch = 0 : i64, scratch_operands = 10 : i64, tpu.core_type = #tpu.core_type<sc_vector_subcore>, window_params = [{transform_indices = #map}, {transform_indices = #map}, {transform_indices = #map}]} {
    %mul3A = arith.constant 2 : i32
    %mul3A_0 = arith.muli %arg1, %mul3A : i32
    %add3A = arith.addi %mul3A_0, %arg0 : i32
    %mul3A_1 = arith.constant 256 : i32
    %mul3A_2 = arith.muli %add3A, %mul3A_1 : i32
    %jit3A = arith.constant 8 : i32
    %div3A = arith.divsi %add3A, %jit3A : i32
    %sign3A = arith.constant 0 : i32
    %sign3A_3 = arith.cmpi sgt, %add3A, %sign3A : i32
    %sign3A_4 = arith.extui %sign3A_3 : i1 to i32
    %sign3A_5 = arith.constant 0 : i32
    %sign3A_6 = arith.cmpi slt, %add3A, %sign3A_5 : i32
    %sign3A_7 = arith.extui %sign3A_6 : i1 to i32
    %sign3A_8 = arith.subi %sign3A_4, %sign3A_7 : i32
    %sign3A_9 = arith.constant 0 : i32
    %sign3A_10 = arith.cmpi sgt, %jit3A, %sign3A_9 : i32
    %sign3A_11 = arith.extui %sign3A_10 : i1 to i32
    %sign3A_12 = arith.constant 0 : i32
    %sign3A_13 = arith.cmpi slt, %jit3A, %sign3A_12 : i32
    %sign3A_14 = arith.extui %sign3A_13 : i1 to i32
    %sign3A_15 = arith.subi %sign3A_11, %sign3A_14 : i32
    %ne3A = arith.cmpi ne, %sign3A_8, %sign3A_15 : i32
    %rem3A = arith.remsi %add3A, %jit3A : i32
    %ne3A_16 = arith.constant 0 : i32
    %ne3A_17 = arith.cmpi ne, %rem3A, %ne3A_16 : i32
    %and3A = arith.andi %ne3A, %ne3A_17 : i1
    %sub3A = arith.constant 1 : i32
    %sub3A_18 = arith.subi %div3A, %sub3A : i32
    %select_n3A = arith.select %and3A, %sub3A_18, %div3A : i32
    %jit3A_19 = arith.constant 8 : i32
    %eq3A = arith.constant 0 : i32
    %eq3A_20 = arith.cmpi eq, %jit3A_19, %eq3A : i32
    %jit3A_21 = arith.constant 1 : i32
    %select_n3A_22 = arith.select %eq3A_20, %jit3A_21, %jit3A_19 : i32
    %rem3A_23 = arith.remsi %add3A, %select_n3A_22 : i32
    %ne3A_24 = arith.constant 0 : i32
    %ne3A_25 = arith.cmpi ne, %rem3A_23, %ne3A_24 : i32
    %lt3A = arith.constant 0 : i32
    %lt3A_26 = arith.cmpi slt, %rem3A_23, %lt3A : i32
    %lt3A_27 = arith.constant 0 : i32
    %lt3A_28 = arith.cmpi slt, %select_n3A_22, %lt3A_27 : i32
    %ne3A_29 = arith.xori %lt3A_26, %lt3A_28 : i1
    %and3A_30 = arith.andi %ne3A_29, %ne3A_25 : i1
    %add3A_31 = arith.addi %rem3A_23, %select_n3A_22 : i32
    %select_n3A_32 = arith.select %and3A_30, %add3A_31, %rem3A_23 : i32
    %mul3A_33 = arith.constant 256 : i32
    %mul3A_34 = arith.muli %select_n3A_32, %mul3A_33 : i32
    "tpu.region"() ({
      %run_scoped3A = tpu.sem_alloc : memref<!tpu.dma_semaphore, #tpu.memory_space<semaphore_mem>>
      %dma_start3A_147 = tpu.memref_slice %arg3[%select_n3A, %mul3A_34] : memref<4x2048xi32, #tpu.memory_space<hbm>> -> memref<1x256xi32, #tpu.memory_space<hbm>>
      %dma_start3A_148 = tpu.memref_squeeze %dma_start3A_147 : memref<1x256xi32, #tpu.memory_space<hbm>> -> memref<256xi32, #tpu.memory_space<hbm>>
      %dma_start3A_149 = tpu.memref_slice %arg3[%select_n3A, %mul3A_34] : memref<4x2048xi32, #tpu.memory_space<hbm>> -> memref<1x256xi32, #tpu.memory_space<hbm>>
      %dma_start3A_150 = tpu.memref_squeeze %dma_start3A_149 : memref<1x256xi32, #tpu.memory_space<hbm>> -> memref<256xi32, #tpu.memory_space<hbm>>
      tpu.enqueue_dma source(%dma_start3A_150 : memref<256xi32, #tpu.memory_space<hbm>>) target(%arg5 : memref<256xi32, #tpu.memory_space<vmem>>) target_semaphore(%run_scoped3A : memref<!tpu.dma_semaphore, #tpu.memory_space<semaphore_mem>>)
      %dma_wait3A_151 = tpu.memref_slice %arg3[%select_n3A, %mul3A_34] : memref<4x2048xi32, #tpu.memory_space<hbm>> -> memref<1x256xi32, #tpu.memory_space<hbm>>
      %dma_wait3A_152 = tpu.memref_squeeze %dma_wait3A_151 : memref<1x256xi32, #tpu.memory_space<hbm>> -> memref<256xi32, #tpu.memory_space<hbm>>
      %dma_wait3A_153 = tpu.memref_slice %arg3[%select_n3A, %mul3A_34] : memref<4x2048xi32, #tpu.memory_space<hbm>> -> memref<1x256xi32, #tpu.memory_space<hbm>>
      %dma_wait3A_154 = tpu.memref_squeeze %dma_wait3A_153 : memref<1x256xi32, #tpu.memory_space<hbm>> -> memref<256xi32, #tpu.memory_space<hbm>>
      tpu.wait_dma2 semaphore(%run_scoped3A : memref<!tpu.dma_semaphore, #tpu.memory_space<semaphore_mem>>) src(%dma_wait3A_154 : memref<256xi32, #tpu.memory_space<hbm>>) dst(%arg5 : memref<256xi32, #tpu.memory_space<vmem>>)
      tpu.yield
    }) : () -> ()
    %dma_start3A = arith.constant 0 : i32
    %dma_start3A_35 = tpu.memref_slice %arg5[%dma_start3A] : memref<256xi32, #tpu.memory_space<vmem>> -> memref<8xi32, #tpu.memory_space<vmem>>
    %dma_start3A_36 = arith.constant 0 : i32
    %dma_start3A_37 = arith.constant 0 : i32
    %dma_start3A_38 = tpu.memref_slice %arg2[%dma_start3A_36, %dma_start3A_37] : memref<100000x4096xf32, #tpu.memory_space<hbm>> -> memref<100000x4096xf32, #tpu.memory_space<hbm>>
    tpu.enqueue_indirect_dma source(%dma_start3A_38 : memref<100000x4096xf32, #tpu.memory_space<hbm>>) target(%arg6 : memref<8x4096xf32, #tpu.memory_space<vmem>>) offsets(%dma_start3A_35 : memref<8xi32, #tpu.memory_space<vmem>>) semaphore(%arg9 : memref<!tpu.dma_semaphore, #tpu.memory_space<semaphore_mem>>)
    %dma_start3A_39 = arith.constant 8 : i32
    %dma_start3A_40 = tpu.memref_slice %arg5[%dma_start3A_39] : memref<256xi32, #tpu.memory_space<vmem>> -> memref<8xi32, #tpu.memory_space<vmem>>
    %dma_start3A_41 = arith.constant 0 : i32
    %dma_start3A_42 = arith.constant 0 : i32
    %dma_start3A_43 = tpu.memref_slice %arg2[%dma_start3A_41, %dma_start3A_42] : memref<100000x4096xf32, #tpu.memory_space<hbm>> -> memref<100000x4096xf32, #tpu.memory_space<hbm>>
    tpu.enqueue_indirect_dma source(%dma_start3A_43 : memref<100000x4096xf32, #tpu.memory_space<hbm>>) target(%arg7 : memref<8x4096xf32, #tpu.memory_space<vmem>>) offsets(%dma_start3A_40 : memref<8xi32, #tpu.memory_space<vmem>>) semaphore(%arg10 : memref<!tpu.dma_semaphore, #tpu.memory_space<semaphore_mem>>)
    %dma_start3A_44 = arith.constant 16 : i32
    %dma_start3A_45 = tpu.memref_slice %arg5[%dma_start3A_44] : memref<256xi32, #tpu.memory_space<vmem>> -> memref<8xi32, #tpu.memory_space<vmem>>
    %dma_start3A_46 = arith.constant 0 : i32
    %dma_start3A_47 = arith.constant 0 : i32
    %dma_start3A_48 = tpu.memref_slice %arg2[%dma_start3A_46, %dma_start3A_47] : memref<100000x4096xf32, #tpu.memory_space<hbm>> -> memref<100000x4096xf32, #tpu.memory_space<hbm>>
    tpu.enqueue_indirect_dma source(%dma_start3A_48 : memref<100000x4096xf32, #tpu.memory_space<hbm>>) target(%arg8 : memref<8x4096xf32, #tpu.memory_space<vmem>>) offsets(%dma_start3A_45 : memref<8xi32, #tpu.memory_space<vmem>>) semaphore(%arg11 : memref<!tpu.dma_semaphore, #tpu.memory_space<semaphore_mem>>)
    %dma_wait3A = arith.constant 0 : i32
    %dma_wait3A_49 = tpu.memref_slice %arg5[%dma_wait3A] : memref<256xi32, #tpu.memory_space<vmem>> -> memref<8xi32, #tpu.memory_space<vmem>>
    %dma_wait3A_50 = arith.constant 0 : i32
    %dma_wait3A_51 = arith.constant 0 : i32
    %dma_wait3A_52 = tpu.memref_slice %arg2[%dma_wait3A_50, %dma_wait3A_51] : memref<100000x4096xf32, #tpu.memory_space<hbm>> -> memref<100000x4096xf32, #tpu.memory_space<hbm>>
    tpu.wait_indirect_dma semaphore(%arg9 : memref<!tpu.dma_semaphore, #tpu.memory_space<semaphore_mem>>) src(%dma_wait3A_52 : memref<100000x4096xf32, #tpu.memory_space<hbm>>) dst(%arg6 : memref<8x4096xf32, #tpu.memory_space<vmem>>)
    %add3A_53 = arith.constant 0 : i32
    %add3A_54 = arith.addi %mul3A_2, %add3A_53 : i32
    %dma_start3A_55 = arith.constant 0 : i32
    %dma_start3A_56 = tpu.memref_slice %arg4[%add3A_54, %dma_start3A_55] : memref<8192x4096xf32, #tpu.memory_space<hbm>> -> memref<8x4096xf32, #tpu.memory_space<hbm>>
    %dma_start3A_57 = arith.constant 0 : i32
    %dma_start3A_58 = tpu.memref_slice %arg4[%add3A_54, %dma_start3A_57] : memref<8192x4096xf32, #tpu.memory_space<hbm>> -> memref<8x4096xf32, #tpu.memory_space<hbm>>
    tpu.enqueue_dma source(%arg6 : memref<8x4096xf32, #tpu.memory_space<vmem>>) target(%dma_start3A_58 : memref<8x4096xf32, #tpu.memory_space<hbm>>) target_semaphore(%arg12 : memref<!tpu.dma_semaphore, #tpu.memory_space<semaphore_mem>>)
    %dma_wait3A_59 = arith.constant 8 : i32
    %dma_wait3A_60 = tpu.memref_slice %arg5[%dma_wait3A_59] : memref<256xi32, #tpu.memory_space<vmem>> -> memref<8xi32, #tpu.memory_space<vmem>>
    %dma_wait3A_61 = arith.constant 0 : i32
    %dma_wait3A_62 = arith.constant 0 : i32
    %dma_wait3A_63 = tpu.memref_slice %arg2[%dma_wait3A_61, %dma_wait3A_62] : memref<100000x4096xf32, #tpu.memory_space<hbm>> -> memref<100000x4096xf32, #tpu.memory_space<hbm>>
    tpu.wait_indirect_dma semaphore(%arg10 : memref<!tpu.dma_semaphore, #tpu.memory_space<semaphore_mem>>) src(%dma_wait3A_63 : memref<100000x4096xf32, #tpu.memory_space<hbm>>) dst(%arg7 : memref<8x4096xf32, #tpu.memory_space<vmem>>)
    %add3A_64 = arith.constant 0 : i32
    %add3A_65 = arith.addi %mul3A_2, %add3A_64 : i32
    %dma_wait3A_66 = arith.constant 0 : i32
    %dma_wait3A_67 = tpu.memref_slice %arg4[%add3A_65, %dma_wait3A_66] : memref<8192x4096xf32, #tpu.memory_space<hbm>> -> memref<8x4096xf32, #tpu.memory_space<hbm>>
    %dma_wait3A_68 = arith.constant 0 : i32
    %dma_wait3A_69 = tpu.memref_slice %arg4[%add3A_65, %dma_wait3A_68] : memref<8192x4096xf32, #tpu.memory_space<hbm>> -> memref<8x4096xf32, #tpu.memory_space<hbm>>
    tpu.wait_dma2 semaphore(%arg12 : memref<!tpu.dma_semaphore, #tpu.memory_space<semaphore_mem>>) src(%arg6 : memref<8x4096xf32, #tpu.memory_space<vmem>>) dst(%dma_wait3A_69 : memref<8x4096xf32, #tpu.memory_space<hbm>>)
    %dma_start3A_70 = arith.constant 24 : i32
    %dma_start3A_71 = tpu.memref_slice %arg5[%dma_start3A_70] : memref<256xi32, #tpu.memory_space<vmem>> -> memref<8xi32, #tpu.memory_space<vmem>>
    %dma_start3A_72 = arith.constant 0 : i32
    %dma_start3A_73 = arith.constant 0 : i32
    %dma_start3A_74 = tpu.memref_slice %arg2[%dma_start3A_72, %dma_start3A_73] : memref<100000x4096xf32, #tpu.memory_space<hbm>> -> memref<100000x4096xf32, #tpu.memory_space<hbm>>
    tpu.enqueue_indirect_dma source(%dma_start3A_74 : memref<100000x4096xf32, #tpu.memory_space<hbm>>) target(%arg6 : memref<8x4096xf32, #tpu.memory_space<vmem>>) offsets(%dma_start3A_71 : memref<8xi32, #tpu.memory_space<vmem>>) semaphore(%arg9 : memref<!tpu.dma_semaphore, #tpu.memory_space<semaphore_mem>>)
    %add3A_75 = arith.constant 8 : i32
    %add3A_76 = arith.addi %mul3A_2, %add3A_75 : i32
    %dma_start3A_77 = arith.constant 0 : i32
    %dma_start3A_78 = tpu.memref_slice %arg4[%add3A_76, %dma_start3A_77] : memref<8192x4096xf32, #tpu.memory_space<hbm>> -> memref<8x4096xf32, #tpu.memory_space<hbm>>
    %dma_start3A_79 = arith.constant 0 : i32
    %dma_start3A_80 = tpu.memref_slice %arg4[%add3A_76, %dma_start3A_79] : memref<8192x4096xf32, #tpu.memory_space<hbm>> -> memref<8x4096xf32, #tpu.memory_space<hbm>>
    tpu.enqueue_dma source(%arg7 : memref<8x4096xf32, #tpu.memory_space<vmem>>) target(%dma_start3A_80 : memref<8x4096xf32, #tpu.memory_space<hbm>>) target_semaphore(%arg13 : memref<!tpu.dma_semaphore, #tpu.memory_space<semaphore_mem>>)
    %dma_wait3A_81 = arith.constant 16 : i32
    %dma_wait3A_82 = tpu.memref_slice %arg5[%dma_wait3A_81] : memref<256xi32, #tpu.memory_space<vmem>> -> memref<8xi32, #tpu.memory_space<vmem>>
    %dma_wait3A_83 = arith.constant 0 : i32
    %dma_wait3A_84 = arith.constant 0 : i32
    %dma_wait3A_85 = tpu.memref_slice %arg2[%dma_wait3A_83, %dma_wait3A_84] : memref<100000x4096xf32, #tpu.memory_space<hbm>> -> memref<100000x4096xf32, #tpu.memory_space<hbm>>
    tpu.wait_indirect_dma semaphore(%arg11 : memref<!tpu.dma_semaphore, #tpu.memory_space<semaphore_mem>>) src(%dma_wait3A_85 : memref<100000x4096xf32, #tpu.memory_space<hbm>>) dst(%arg8 : memref<8x4096xf32, #tpu.memory_space<vmem>>)
    %add3A_86 = arith.constant 8 : i32
    %add3A_87 = arith.addi %mul3A_2, %add3A_86 : i32
    %dma_wait3A_88 = arith.constant 0 : i32
    %dma_wait3A_89 = tpu.memref_slice %arg4[%add3A_87, %dma_wait3A_88] : memref<8192x4096xf32, #tpu.memory_space<hbm>> -> memref<8x4096xf32, #tpu.memory_space<hbm>>
    %dma_wait3A_90 = arith.constant 0 : i32
    %dma_wait3A_91 = tpu.memref_slice %arg4[%add3A_87, %dma_wait3A_90] : memref<8192x4096xf32, #tpu.memory_space<hbm>> -> memref<8x4096xf32, #tpu.memory_space<hbm>>
    tpu.wait_dma2 semaphore(%arg13 : memref<!tpu.dma_semaphore, #tpu.memory_space<semaphore_mem>>) src(%arg7 : memref<8x4096xf32, #tpu.memory_space<vmem>>) dst(%dma_wait3A_91 : memref<8x4096xf32, #tpu.memory_space<hbm>>)
    %dma_start3A_92 = arith.constant 32 : i32
    %dma_start3A_93 = tpu.memref_slice %arg5[%dma_start3A_92] : memref<256xi32, #tpu.memory_space<vmem>> -> memref<8xi32, #tpu.memory_space<vmem>>
    %dma_start3A_94 = arith.constant 0 : i32
    %dma_start3A_95 = arith.constant 0 : i32
    %dma_start3A_96 = tpu.memref_slice %arg2[%dma_start3A_94, %dma_start3A_95] : memref<100000x4096xf32, #tpu.memory_space<hbm>> -> memref<100000x4096xf32, #tpu.memory_space<hbm>>
    tpu.enqueue_indirect_dma source(%dma_start3A_96 : memref<100000x4096xf32, #tpu.memory_space<hbm>>) target(%arg7 : memref<8x4096xf32, #tpu.memory_space<vmem>>) offsets(%dma_start3A_93 : memref<8xi32, #tpu.memory_space<vmem>>) semaphore(%arg10 : memref<!tpu.dma_semaphore, #tpu.memory_space<semaphore_mem>>)
    %add3A_97 = arith.constant 16 : i32
    %add3A_98 = arith.addi %mul3A_2, %add3A_97 : i32
    %dma_start3A_99 = arith.constant 0 : i32
    %dma_start3A_100 = tpu.memref_slice %arg4[%add3A_98, %dma_start3A_99] : memref<8192x4096xf32, #tpu.memory_space<hbm>> -> memref<8x4096xf32, #tpu.memory_space<hbm>>
    %dma_start3A_101 = arith.constant 0 : i32
    %dma_start3A_102 = tpu.memref_slice %arg4[%add3A_98, %dma_start3A_101] : memref<8192x4096xf32, #tpu.memory_space<hbm>> -> memref<8x4096xf32, #tpu.memory_space<hbm>>
    tpu.enqueue_dma source(%arg8 : memref<8x4096xf32, #tpu.memory_space<vmem>>) target(%dma_start3A_102 : memref<8x4096xf32, #tpu.memory_space<hbm>>) target_semaphore(%arg14 : memref<!tpu.dma_semaphore, #tpu.memory_space<semaphore_mem>>)
    %scan3A = arith.constant 0 : i32
    %scan3A_103 = arith.constant 9 : i32
    %scan3A_104 = arith.addi %scan3A, %scan3A_103 : i32
    %scan3A_105 = arith.constant 1 : i32
    scf.for %scan3A_147 = %scan3A to %scan3A_104 step %scan3A_105  : i32 {
      %mul3A_148 = arith.constant 3 : i32
      %mul3A_149 = arith.muli %scan3A_147, %mul3A_148 : i32
      %add3A_150 = arith.constant 3 : i32
      %add3A_151 = arith.addi %add3A_150, %mul3A_149 : i32
      %add3A_152 = arith.constant 0 : i32
      %add3A_153 = arith.addi %add3A_151, %add3A_152 : i32
      %mul3A_154 = arith.constant 8 : i32
      %mul3A_155 = arith.muli %add3A_153, %mul3A_154 : i32
      %dma_wait3A_156 = tpu.memref_slice %arg5[%mul3A_155] : memref<256xi32, #tpu.memory_space<vmem>> -> memref<8xi32, #tpu.memory_space<vmem>>
      %dma_wait3A_157 = arith.constant 0 : i32
      %dma_wait3A_158 = arith.constant 0 : i32
      %dma_wait3A_159 = tpu.memref_slice %arg2[%dma_wait3A_157, %dma_wait3A_158] : memref<100000x4096xf32, #tpu.memory_space<hbm>> -> memref<100000x4096xf32, #tpu.memory_space<hbm>>
      tpu.wait_indirect_dma semaphore(%arg9 : memref<!tpu.dma_semaphore, #tpu.memory_space<semaphore_mem>>) src(%dma_wait3A_159 : memref<100000x4096xf32, #tpu.memory_space<hbm>>) dst(%arg6 : memref<8x4096xf32, #tpu.memory_space<vmem>>)
      %mul3A_160 = arith.constant 8 : i32
      %mul3A_161 = arith.muli %add3A_153, %mul3A_160 : i32
      %add3A_162 = arith.addi %mul3A_2, %mul3A_161 : i32
      %dma_start3A_163 = arith.constant 0 : i32
      %dma_start3A_164 = tpu.memref_slice %arg4[%add3A_162, %dma_start3A_163] : memref<8192x4096xf32, #tpu.memory_space<hbm>> -> memref<8x4096xf32, #tpu.memory_space<hbm>>
      %dma_start3A_165 = arith.constant 0 : i32
      %dma_start3A_166 = tpu.memref_slice %arg4[%add3A_162, %dma_start3A_165] : memref<8192x4096xf32, #tpu.memory_space<hbm>> -> memref<8x4096xf32, #tpu.memory_space<hbm>>
      tpu.enqueue_dma source(%arg6 : memref<8x4096xf32, #tpu.memory_space<vmem>>) target(%dma_start3A_166 : memref<8x4096xf32, #tpu.memory_space<hbm>>) target_semaphore(%arg12 : memref<!tpu.dma_semaphore, #tpu.memory_space<semaphore_mem>>)
      %sub3A_167 = arith.constant 1 : i32
      %sub3A_168 = arith.subi %add3A_153, %sub3A_167 : i32
      %mul3A_169 = arith.constant 8 : i32
      %mul3A_170 = arith.muli %sub3A_168, %mul3A_169 : i32
      %add3A_171 = arith.addi %mul3A_2, %mul3A_170 : i32
      %dma_wait3A_172 = arith.constant 0 : i32
      %dma_wait3A_173 = tpu.memref_slice %arg4[%add3A_171, %dma_wait3A_172] : memref<8192x4096xf32, #tpu.memory_space<hbm>> -> memref<8x4096xf32, #tpu.memory_space<hbm>>
      %dma_wait3A_174 = arith.constant 0 : i32
      %dma_wait3A_175 = tpu.memref_slice %arg4[%add3A_171, %dma_wait3A_174] : memref<8192x4096xf32, #tpu.memory_space<hbm>> -> memref<8x4096xf32, #tpu.memory_space<hbm>>
      tpu.wait_dma2 semaphore(%arg14 : memref<!tpu.dma_semaphore, #tpu.memory_space<semaphore_mem>>) src(%arg8 : memref<8x4096xf32, #tpu.memory_space<vmem>>) dst(%dma_wait3A_175 : memref<8x4096xf32, #tpu.memory_space<hbm>>)
      %add3A_176 = arith.constant 2 : i32
      %add3A_177 = arith.addi %add3A_153, %add3A_176 : i32
      %mul3A_178 = arith.constant 8 : i32
      %mul3A_179 = arith.muli %add3A_177, %mul3A_178 : i32
      %dma_start3A_180 = tpu.memref_slice %arg5[%mul3A_179] : memref<256xi32, #tpu.memory_space<vmem>> -> memref<8xi32, #tpu.memory_space<vmem>>
      %dma_start3A_181 = arith.constant 0 : i32
      %dma_start3A_182 = arith.constant 0 : i32
      %dma_start3A_183 = tpu.memref_slice %arg2[%dma_start3A_181, %dma_start3A_182] : memref<100000x4096xf32, #tpu.memory_space<hbm>> -> memref<100000x4096xf32, #tpu.memory_space<hbm>>
      tpu.enqueue_indirect_dma source(%dma_start3A_183 : memref<100000x4096xf32, #tpu.memory_space<hbm>>) target(%arg8 : memref<8x4096xf32, #tpu.memory_space<vmem>>) offsets(%dma_start3A_180 : memref<8xi32, #tpu.memory_space<vmem>>) semaphore(%arg11 : memref<!tpu.dma_semaphore, #tpu.memory_space<semaphore_mem>>)
      %add3A_184 = arith.constant 1 : i32
      %add3A_185 = arith.addi %add3A_151, %add3A_184 : i32
      %mul3A_186 = arith.constant 8 : i32
      %mul3A_187 = arith.muli %add3A_185, %mul3A_186 : i32
      %dma_wait3A_188 = tpu.memref_slice %arg5[%mul3A_187] : memref<256xi32, #tpu.memory_space<vmem>> -> memref<8xi32, #tpu.memory_space<vmem>>
      %dma_wait3A_189 = arith.constant 0 : i32
      %dma_wait3A_190 = arith.constant 0 : i32
      %dma_wait3A_191 = tpu.memref_slice %arg2[%dma_wait3A_189, %dma_wait3A_190] : memref<100000x4096xf32, #tpu.memory_space<hbm>> -> memref<100000x4096xf32, #tpu.memory_space<hbm>>
      tpu.wait_indirect_dma semaphore(%arg10 : memref<!tpu.dma_semaphore, #tpu.memory_space<semaphore_mem>>) src(%dma_wait3A_191 : memref<100000x4096xf32, #tpu.memory_space<hbm>>) dst(%arg7 : memref<8x4096xf32, #tpu.memory_space<vmem>>)
      %mul3A_192 = arith.constant 8 : i32
      %mul3A_193 = arith.muli %add3A_185, %mul3A_192 : i32
      %add3A_194 = arith.addi %mul3A_2, %mul3A_193 : i32
      %dma_start3A_195 = arith.constant 0 : i32
      %dma_start3A_196 = tpu.memref_slice %arg4[%add3A_194, %dma_start3A_195] : memref<8192x4096xf32, #tpu.memory_space<hbm>> -> memref<8x4096xf32, #tpu.memory_space<hbm>>
      %dma_start3A_197 = arith.constant 0 : i32
      %dma_start3A_198 = tpu.memref_slice %arg4[%add3A_194, %dma_start3A_197] : memref<8192x4096xf32, #tpu.memory_space<hbm>> -> memref<8x4096xf32, #tpu.memory_space<hbm>>
      tpu.enqueue_dma source(%arg7 : memref<8x4096xf32, #tpu.memory_space<vmem>>) target(%dma_start3A_198 : memref<8x4096xf32, #tpu.memory_space<hbm>>) target_semaphore(%arg13 : memref<!tpu.dma_semaphore, #tpu.memory_space<semaphore_mem>>)
      %sub3A_199 = arith.constant 1 : i32
      %sub3A_200 = arith.subi %add3A_185, %sub3A_199 : i32
      %mul3A_201 = arith.constant 8 : i32
      %mul3A_202 = arith.muli %sub3A_200, %mul3A_201 : i32
      %add3A_203 = arith.addi %mul3A_2, %mul3A_202 : i32
      %dma_wait3A_204 = arith.constant 0 : i32
      %dma_wait3A_205 = tpu.memref_slice %arg4[%add3A_203, %dma_wait3A_204] : memref<8192x4096xf32, #tpu.memory_space<hbm>> -> memref<8x4096xf32, #tpu.memory_space<hbm>>
      %dma_wait3A_206 = arith.constant 0 : i32
      %dma_wait3A_207 = tpu.memref_slice %arg4[%add3A_203, %dma_wait3A_206] : memref<8192x4096xf32, #tpu.memory_space<hbm>> -> memref<8x4096xf32, #tpu.memory_space<hbm>>
      tpu.wait_dma2 semaphore(%arg12 : memref<!tpu.dma_semaphore, #tpu.memory_space<semaphore_mem>>) src(%arg6 : memref<8x4096xf32, #tpu.memory_space<vmem>>) dst(%dma_wait3A_207 : memref<8x4096xf32, #tpu.memory_space<hbm>>)
      %add3A_208 = arith.constant 2 : i32
      %add3A_209 = arith.addi %add3A_185, %add3A_208 : i32
      %mul3A_210 = arith.constant 8 : i32
      %mul3A_211 = arith.muli %add3A_209, %mul3A_210 : i32
      %dma_start3A_212 = tpu.memref_slice %arg5[%mul3A_211] : memref<256xi32, #tpu.memory_space<vmem>> -> memref<8xi32, #tpu.memory_space<vmem>>
      %dma_start3A_213 = arith.constant 0 : i32
      %dma_start3A_214 = arith.constant 0 : i32
      %dma_start3A_215 = tpu.memref_slice %arg2[%dma_start3A_213, %dma_start3A_214] : memref<100000x4096xf32, #tpu.memory_space<hbm>> -> memref<100000x4096xf32, #tpu.memory_space<hbm>>
      tpu.enqueue_indirect_dma source(%dma_start3A_215 : memref<100000x4096xf32, #tpu.memory_space<hbm>>) target(%arg6 : memref<8x4096xf32, #tpu.memory_space<vmem>>) offsets(%dma_start3A_212 : memref<8xi32, #tpu.memory_space<vmem>>) semaphore(%arg9 : memref<!tpu.dma_semaphore, #tpu.memory_space<semaphore_mem>>)
      %add3A_216 = arith.constant 2 : i32
      %add3A_217 = arith.addi %add3A_151, %add3A_216 : i32
      %mul3A_218 = arith.constant 8 : i32
      %mul3A_219 = arith.muli %add3A_217, %mul3A_218 : i32
      %dma_wait3A_220 = tpu.memref_slice %arg5[%mul3A_219] : memref<256xi32, #tpu.memory_space<vmem>> -> memref<8xi32, #tpu.memory_space<vmem>>
      %dma_wait3A_221 = arith.constant 0 : i32
      %dma_wait3A_222 = arith.constant 0 : i32
      %dma_wait3A_223 = tpu.memref_slice %arg2[%dma_wait3A_221, %dma_wait3A_222] : memref<100000x4096xf32, #tpu.memory_space<hbm>> -> memref<100000x4096xf32, #tpu.memory_space<hbm>>
      tpu.wait_indirect_dma semaphore(%arg11 : memref<!tpu.dma_semaphore, #tpu.memory_space<semaphore_mem>>) src(%dma_wait3A_223 : memref<100000x4096xf32, #tpu.memory_space<hbm>>) dst(%arg8 : memref<8x4096xf32, #tpu.memory_space<vmem>>)
      %mul3A_224 = arith.constant 8 : i32
      %mul3A_225 = arith.muli %add3A_217, %mul3A_224 : i32
      %add3A_226 = arith.addi %mul3A_2, %mul3A_225 : i32
      %dma_start3A_227 = arith.constant 0 : i32
      %dma_start3A_228 = tpu.memref_slice %arg4[%add3A_226, %dma_start3A_227] : memref<8192x4096xf32, #tpu.memory_space<hbm>> -> memref<8x4096xf32, #tpu.memory_space<hbm>>
      %dma_start3A_229 = arith.constant 0 : i32
      %dma_start3A_230 = tpu.memref_slice %arg4[%add3A_226, %dma_start3A_229] : memref<8192x4096xf32, #tpu.memory_space<hbm>> -> memref<8x4096xf32, #tpu.memory_space<hbm>>
      tpu.enqueue_dma source(%arg8 : memref<8x4096xf32, #tpu.memory_space<vmem>>) target(%dma_start3A_230 : memref<8x4096xf32, #tpu.memory_space<hbm>>) target_semaphore(%arg14 : memref<!tpu.dma_semaphore, #tpu.memory_space<semaphore_mem>>)
      %sub3A_231 = arith.constant 1 : i32
      %sub3A_232 = arith.subi %add3A_217, %sub3A_231 : i32
      %mul3A_233 = arith.constant 8 : i32
      %mul3A_234 = arith.muli %sub3A_232, %mul3A_233 : i32
      %add3A_235 = arith.addi %mul3A_2, %mul3A_234 : i32
      %dma_wait3A_236 = arith.constant 0 : i32
      %dma_wait3A_237 = tpu.memref_slice %arg4[%add3A_235, %dma_wait3A_236] : memref<8192x4096xf32, #tpu.memory_space<hbm>> -> memref<8x4096xf32, #tpu.memory_space<hbm>>
      %dma_wait3A_238 = arith.constant 0 : i32
      %dma_wait3A_239 = tpu.memref_slice %arg4[%add3A_235, %dma_wait3A_238] : memref<8192x4096xf32, #tpu.memory_space<hbm>> -> memref<8x4096xf32, #tpu.memory_space<hbm>>
      tpu.wait_dma2 semaphore(%arg13 : memref<!tpu.dma_semaphore, #tpu.memory_space<semaphore_mem>>) src(%arg7 : memref<8x4096xf32, #tpu.memory_space<vmem>>) dst(%dma_wait3A_239 : memref<8x4096xf32, #tpu.memory_space<hbm>>)
      %add3A_240 = arith.constant 2 : i32
      %add3A_241 = arith.addi %add3A_217, %add3A_240 : i32
      %mul3A_242 = arith.constant 8 : i32
      %mul3A_243 = arith.muli %add3A_241, %mul3A_242 : i32
      %dma_start3A_244 = tpu.memref_slice %arg5[%mul3A_243] : memref<256xi32, #tpu.memory_space<vmem>> -> memref<8xi32, #tpu.memory_space<vmem>>
      %dma_start3A_245 = arith.constant 0 : i32
      %dma_start3A_246 = arith.constant 0 : i32
      %dma_start3A_247 = tpu.memref_slice %arg2[%dma_start3A_245, %dma_start3A_246] : memref<100000x4096xf32, #tpu.memory_space<hbm>> -> memref<100000x4096xf32, #tpu.memory_space<hbm>>
      tpu.enqueue_indirect_dma source(%dma_start3A_247 : memref<100000x4096xf32, #tpu.memory_space<hbm>>) target(%arg7 : memref<8x4096xf32, #tpu.memory_space<vmem>>) offsets(%dma_start3A_244 : memref<8xi32, #tpu.memory_space<vmem>>) semaphore(%arg10 : memref<!tpu.dma_semaphore, #tpu.memory_space<semaphore_mem>>)
    }
    %scan3A_106 = arith.constant 9 : i32
    %dma_wait3A_107 = arith.constant 240 : i32
    %dma_wait3A_108 = tpu.memref_slice %arg5[%dma_wait3A_107] : memref<256xi32, #tpu.memory_space<vmem>> -> memref<8xi32, #tpu.memory_space<vmem>>
    %dma_wait3A_109 = arith.constant 0 : i32
    %dma_wait3A_110 = arith.constant 0 : i32
    %dma_wait3A_111 = tpu.memref_slice %arg2[%dma_wait3A_109, %dma_wait3A_110] : memref<100000x4096xf32, #tpu.memory_space<hbm>> -> memref<100000x4096xf32, #tpu.memory_space<hbm>>
    tpu.wait_indirect_dma semaphore(%arg9 : memref<!tpu.dma_semaphore, #tpu.memory_space<semaphore_mem>>) src(%dma_wait3A_111 : memref<100000x4096xf32, #tpu.memory_space<hbm>>) dst(%arg6 : memref<8x4096xf32, #tpu.memory_space<vmem>>)
    %add3A_112 = arith.constant 240 : i32
    %add3A_113 = arith.addi %mul3A_2, %add3A_112 : i32
    %dma_start3A_114 = arith.constant 0 : i32
    %dma_start3A_115 = tpu.memref_slice %arg4[%add3A_113, %dma_start3A_114] : memref<8192x4096xf32, #tpu.memory_space<hbm>> -> memref<8x4096xf32, #tpu.memory_space<hbm>>
    %dma_start3A_116 = arith.constant 0 : i32
    %dma_start3A_117 = tpu.memref_slice %arg4[%add3A_113, %dma_start3A_116] : memref<8192x4096xf32, #tpu.memory_space<hbm>> -> memref<8x4096xf32, #tpu.memory_space<hbm>>
    tpu.enqueue_dma source(%arg6 : memref<8x4096xf32, #tpu.memory_space<vmem>>) target(%dma_start3A_117 : memref<8x4096xf32, #tpu.memory_space<hbm>>) target_semaphore(%arg12 : memref<!tpu.dma_semaphore, #tpu.memory_space<semaphore_mem>>)
    %dma_wait3A_118 = arith.constant 248 : i32
    %dma_wait3A_119 = tpu.memref_slice %arg5[%dma_wait3A_118] : memref<256xi32, #tpu.memory_space<vmem>> -> memref<8xi32, #tpu.memory_space<vmem>>
    %dma_wait3A_120 = arith.constant 0 : i32
    %dma_wait3A_121 = arith.constant 0 : i32
    %dma_wait3A_122 = tpu.memref_slice %arg2[%dma_wait3A_120, %dma_wait3A_121] : memref<100000x4096xf32, #tpu.memory_space<hbm>> -> memref<100000x4096xf32, #tpu.memory_space<hbm>>
    tpu.wait_indirect_dma semaphore(%arg10 : memref<!tpu.dma_semaphore, #tpu.memory_space<semaphore_mem>>) src(%dma_wait3A_122 : memref<100000x4096xf32, #tpu.memory_space<hbm>>) dst(%arg7 : memref<8x4096xf32, #tpu.memory_space<vmem>>)
    %add3A_123 = arith.constant 248 : i32
    %add3A_124 = arith.addi %mul3A_2, %add3A_123 : i32
    %dma_start3A_125 = arith.constant 0 : i32
    %dma_start3A_126 = tpu.memref_slice %arg4[%add3A_124, %dma_start3A_125] : memref<8192x4096xf32, #tpu.memory_space<hbm>> -> memref<8x4096xf32, #tpu.memory_space<hbm>>
    %dma_start3A_127 = arith.constant 0 : i32
    %dma_start3A_128 = tpu.memref_slice %arg4[%add3A_124, %dma_start3A_127] : memref<8192x4096xf32, #tpu.memory_space<hbm>> -> memref<8x4096xf32, #tpu.memory_space<hbm>>
    tpu.enqueue_dma source(%arg7 : memref<8x4096xf32, #tpu.memory_space<vmem>>) target(%dma_start3A_128 : memref<8x4096xf32, #tpu.memory_space<hbm>>) target_semaphore(%arg13 : memref<!tpu.dma_semaphore, #tpu.memory_space<semaphore_mem>>)
    %add3A_129 = arith.constant 232 : i32
    %add3A_130 = arith.addi %mul3A_2, %add3A_129 : i32
    %dma_wait3A_131 = arith.constant 0 : i32
    %dma_wait3A_132 = tpu.memref_slice %arg4[%add3A_130, %dma_wait3A_131] : memref<8192x4096xf32, #tpu.memory_space<hbm>> -> memref<8x4096xf32, #tpu.memory_space<hbm>>
    %dma_wait3A_133 = arith.constant 0 : i32
    %dma_wait3A_134 = tpu.memref_slice %arg4[%add3A_130, %dma_wait3A_133] : memref<8192x4096xf32, #tpu.memory_space<hbm>> -> memref<8x4096xf32, #tpu.memory_space<hbm>>
    tpu.wait_dma2 semaphore(%arg14 : memref<!tpu.dma_semaphore, #tpu.memory_space<semaphore_mem>>) src(%arg8 : memref<8x4096xf32, #tpu.memory_space<vmem>>) dst(%dma_wait3A_134 : memref<8x4096xf32, #tpu.memory_space<hbm>>)
    %add3A_135 = arith.constant 240 : i32
    %add3A_136 = arith.addi %mul3A_2, %add3A_135 : i32
    %dma_wait3A_137 = arith.constant 0 : i32
    %dma_wait3A_138 = tpu.memref_slice %arg4[%add3A_136, %dma_wait3A_137] : memref<8192x4096xf32, #tpu.memory_space<hbm>> -> memref<8x4096xf32, #tpu.memory_space<hbm>>
    %dma_wait3A_139 = arith.constant 0 : i32
    %dma_wait3A_140 = tpu.memref_slice %arg4[%add3A_136, %dma_wait3A_139] : memref<8192x4096xf32, #tpu.memory_space<hbm>> -> memref<8x4096xf32, #tpu.memory_space<hbm>>
    tpu.wait_dma2 semaphore(%arg12 : memref<!tpu.dma_semaphore, #tpu.memory_space<semaphore_mem>>) src(%arg6 : memref<8x4096xf32, #tpu.memory_space<vmem>>) dst(%dma_wait3A_140 : memref<8x4096xf32, #tpu.memory_space<hbm>>)
    %add3A_141 = arith.constant 248 : i32
    %add3A_142 = arith.addi %mul3A_2, %add3A_141 : i32
    %dma_wait3A_143 = arith.constant 0 : i32
    %dma_wait3A_144 = tpu.memref_slice %arg4[%add3A_142, %dma_wait3A_143] : memref<8192x4096xf32, #tpu.memory_space<hbm>> -> memref<8x4096xf32, #tpu.memory_space<hbm>>
    %dma_wait3A_145 = arith.constant 0 : i32
    %dma_wait3A_146 = tpu.memref_slice %arg4[%add3A_142, %dma_wait3A_145] : memref<8192x4096xf32, #tpu.memory_space<hbm>> -> memref<8x4096xf32, #tpu.memory_space<hbm>>
    tpu.wait_dma2 semaphore(%arg13 : memref<!tpu.dma_semaphore, #tpu.memory_space<semaphore_mem>>) src(%arg7 : memref<8x4096xf32, #tpu.memory_space<vmem>>) dst(%dma_wait3A_146 : memref<8x4096xf32, #tpu.memory_space<hbm>>)
    return
  }
}

</mosaic_0001>

<sc_bundles>
// kernel: kernel.3.cloned.1.call-start
scs
__scs_entry_jumppad:
0x0: {  	(pc) =	sbr.rel $0x88, $3  }
0x1: {  	(tag) =	ssettag $0x0;
	lr =	simm.s32 $0x1  }
0x2: {  	[smem:$0x3F9F] =	sst lr;
	_ =	strace $0xD0000000  }
0x3: {  	_ = 	snop  }
0x4: {  	_ = 	snop  }
0x5: {  	_ = 	snop  }
0x6: {  	_ = 	snop  }
0x7: {  	_ = 	snop  }
__scs_overlays_trampoline_lowered:
0x8: {  	[smem:$0x3FAE] =	sst s0  }
0x9: {  	[smem:$0x3FAF] =	sst s1  }
0xa: {  	[smem:$0x3FB0] =	sst s2  }
0xb: {  	[smem:$0x3FB1] =	sst s3  }
0xc: {  	[smem:$0x3FB2] =	sst s4  }
0xd: {  	[smem:$0x3FB3] =	sst s5  }
0xe: {  	[smem:$0x3FB4] =	sst s6  }
0xf: {  	[smem:$0x3FB5] =	sst s7  }
0x10: {  	[smem:$0x3FB6] =	sst s8  }
0x11: {  	[smem:$0x3FB7] =	sst s9;
	s0 =	simm.s32 @!p0 $0x0  }
0x12: {  	s1 =	sld [smem:$0x3F9D];
	s0 =	simm.s32 @p0 $0x1  }
0x13: {  	[smem:$0x3FB8] =	sst s0;
	s0 =	simm.s32 @!p1 $0x0  }
0x14: {  	s2 =	sld [smem:$0x3F9C];
	s0 =	simm.s32 @p1 $0x1  }
0x15: {  	[smem:$0x3FB9] =	sst s0;
	s0 =	simm.s32 @!p2 $0x0  }
0x16: {  	s3 =	sld [smem:$0x3FDB];
	s0 =	simm.s32 @p2 $0x1  }
0x17: {  	s4 =	simm.s32 $0x1BF5;
	[smem:$0x3FBB] =	sst s0  }
0x18: {  	s0 =	sld [smem:$0x3F9E];
	_ =	swait.ge [sflag:s4], $0x0  }
0x19: {  	s7 =	sld [smem:$0x3F9F]  }
0x1a: {  	s8 =	sadd.s32 $0xFFFFE003, lr  }
0x1b: {  	s9 =	sadd.s32 $0xFFFFFEF7, lr;
	s5 =	simm.s32 $0xFFFFFFFF;
	p2 =	slt.u32 s8, $0xFFFFF086  }
0x1c: {  	p1 =	slt.u32 s9, $0xF7A;
	s5 =	simm.s32 @!p2 $0x0  }
0x1d: {  	s5 =	simm.s32 @p1 $0x1;
	p0 =	seq.s32 s7, s2  }
0x1e: {  	s7 =	smul.u32 @!p0 $0xF7A, s2;
	p2 =	seq.s32 @!p0 s5, $0x0  }
0x1f: {  	s9 =	smul.u32 $0xF7A, s1;
	s8 =	simm.s32 @!p0 $0x1BF5;
	p2 =	por !p2, p0  }
0x20: {  	[sflag:s8] =	ssyncset.s32 @!p0 $0xFFFFF086;
	s6 =	sadd.s32 @!p0 s3, s7;
	s7 =	simm.s32 @!p0 $0x108  }
0x21: {  	s3 =	sadd.s32 s3, s9;
	s6 =	sadd.s32 @!p0 $0x88, s6;
	s7 =	simm.s32 @p2 $0x1082  }
0x22: {  	[simem:s7], [sflag:s8] =	dma.local @!p0 [hbm:s6], $0xF7A  }
0x23: {  	s9 =	sor.u32 $0xD0000000, s2;
	s6 =	simm.s32 $0x108;
	_ =	swait.ge @!p0 [sflag:s8], $0x0  }
0x24: {  	s3 =	sadd.s32 $0x88, s3;
	s6 =	simm.s32 @!p1 $0x1082;
	[sflag:s4] =	ssyncset.s32 $0xFFFFF086  }
0x25: {  	[simem:s6], [sflag:s4] =	dma.local [hbm:s3], $0xF7A  }
0x26: {  	[smem:$0x3F9F] =	sst s1;
	(tag) =	ssettag s2;
	_ =	strace s9  }
0x27: {  	s1 =	sld [smem:$0x3FAF]  }
0x28: {  	s2 =	sld [smem:$0x3FB0]  }
0x29: {  	s4 =	sld [smem:$0x3FB2]  }
0x2a: {  	p0 =	seq.s32 s5, $0x0;
	s5 =	sld [smem:$0x3FB3]  }
0x2b: {  	s6 =	sld [smem:$0x3FB4]  }
0x2c: {  	s7 =	sld [smem:$0x3FB5]  }
0x2d: {  	s3 =	simm.s32 $0x108;
	s8 =	sld [smem:$0x3FB6]  }
0x2e: {  	s3 =	simm.s32 @!p0 $0x1082;
	s9 =	sld [smem:$0x3FB7]  }
0x2f: {  	lr =	sadd.s32 s0, s3;
	s0 =	sld [smem:$0x3FAE]  }
0x30: {  	s3 =	sld [smem:$0x3FB1]  }
0x31: {  	[smem:$0x3FBA] =	sst s10  }
0x32: {  	s10 =	sld [smem:$0x3FB8];
	_ =	sdelay $0x3  }
0x33: {  	p0 =	seq.s32 s10, $0x1;
	s10 =	sld [smem:$0x3FBA];
	_ =	sdelay $0x3  }
0x34: {  	[smem:$0x3FBA] =	sst s10  }
0x35: {  	s10 =	sld [smem:$0x3FB9];
	_ =	sdelay $0x3  }
0x36: {  	p1 =	seq.s32 s10, $0x1;
	s10 =	sld [smem:$0x3FBA];
	_ =	sdelay $0x3  }
0x37: {  	[smem:$0x3FBA] =	sst s10  }
0x38: {  	s10 =	sld [smem:$0x3FBB]  }
0x39: {  	_ = 	snop;
	(pc) =	sbr.ind lr, $3  }
0x3a: {  	_ = 	snop  }
0x3b: {  	_ = 	snop  }
0x3c: {  	p2 =	seq.s32 s10, $0x1;
	s10 =	sld [smem:$0x3FBA]  }
0x3d: {  	_ =	shalt  }
0x3e: {  	_ =	shalt  }
0x3f: {  	_ =	shalt  }
0x40: {  	_ =	shalt  }
0x41: {  	_ =	shalt  }
0x42: {  	_ =	shalt  }
0x43: {  	_ =	shalt  }
0x44: {  	_ =	shalt  }
0x45: {  	_ =	shalt  }
0x46: {  	_ =	shalt  }
0x47: {  	_ =	shalt  }
0x48: {  	_ =	shalt  }
0x49: {  	_ =	shalt  }
0x4a: {  	_ =	shalt  }
0x4b: {  	_ =	shalt  }
0x4c: {  	_ =	shalt  }
0x4d: {  	_ =	shalt  }
0x4e: {  	_ =	shalt  }
0x4f: {  	_ =	shalt  }
0x50: {  	_ =	shalt  }
0x51: {  	_ =	shalt  }
0x52: {  	_ =	shalt  }
0x53: {  	_ =	shalt  }
0x54: {  	_ =	shalt  }
0x55: {  	_ =	shalt  }
0x56: {  	_ =	shalt  }
0x57: {  	_ =	shalt  }
0x58: {  	_ =	shalt  }
0x59: {  	_ =	shalt  }
0x5a: {  	_ =	shalt  }
0x5b: {  	_ =	shalt  }
0x5c: {  	_ =	shalt  }
0x5d: {  	_ =	shalt  }
0x5e: {  	_ =	shalt  }
0x5f: {  	_ =	shalt  }
0x60: {  	_ =	shalt  }
0x61: {  	_ =	shalt  }
0x62: {  	_ =	shalt  }
0x63: {  	_ =	shalt  }
0x64: {  	_ =	shalt  }
0x65: {  	_ =	shalt  }
0x66: {  	_ =	shalt  }
0x67: {  	_ =	shalt  }
0x68: {  	_ =	shalt  }
0x69: {  	_ =	shalt  }
0x6a: {  	_ =	shalt  }
0x6b: {  	_ =	shalt  }
0x6c: {  	_ =	shalt  }
0x6d: {  	_ =	shalt  }
0x6e: {  	_ =	shalt  }
0x6f: {  	_ =	shalt  }
0x70: {  	_ =	shalt  }
0x71: {  	_ =	shalt  }
0x72: {  	_ =	shalt  }
0x73: {  	_ =	shalt  }
0x74: {  	_ =	shalt  }
0x75: {  	_ =	shalt  }
0x76: {  	_ =	shalt  }
0x77: {  	_ =	shalt  }
0x78: {  	_ =	shalt  }
0x79: {  	_ =	shalt  }
0x7a: {  	_ =	shalt  }
0x7b: {  	_ =	shalt  }
0x7c: {  	_ =	shalt  }
0x7d: {  	_ =	shalt  }
0x7e: {  	_ =	shalt  }
0x7f: {  	_ =	shalt  }
0x80: {  	_ =	shalt  }
0x81: {  	_ =	shalt  }
0x82: {  	_ =	shalt  }
0x83: {  	_ =	shalt  }
0x84: {  	_ =	shalt  }
0x85: {  	_ =	shalt  }
0x86: {  	_ =	shalt  }
0x87: {  	_ =	shalt  }
.Lfunc_end0:
.L_simem_size_0:
called_computation_lowered:
.L_overlay_start_0:
0x88: {  	s2 =	sld [smem:$0x3FD9]  }
0x89: {  	s3 =	sld [smem:$0x3FFE];
	_ =	sdelay $0x1  }
0x8a: {  	s1 =	srdreg.scid  }
0x8b: {  	s0 =	sand.u32 $0x1, s1  }
0x8c: {  	s18 =	sshll.u32 s0, $0xA;
	s2 =	sadd.s32 s3, s2  }
0x8d: {  	s2 =	sadd.s32 s2, s18  }
0x8e: {  	[smem:$0x3FC6] =	sst s2  }
0x8f: {  	_ = 	snop  }
0x90: {  	s2 =	sld [smem:$0x3FC9]  }
0x91: {  	s19 =	sld [smem:$0x3FC8]  }
0x92: {  	s4 =	sld [smem:$0x3FD0];
	(tm) =	ssettm $0x1  }
0x93: {  	s5 =	sld [smem:$0x3FFB];
	_ =	sdelay $0x3  }
0x94: {  	_ =	strace s5  }
0x95: {  	s5 =	sld [smem:$0x3FFC];
	_ =	sdelay $0x3  }
0x96: {  	_ =	strace s5  }
0x97: {  	s5 =	sld [smem:$0x3FFD];
	_ =	sdelay $0x3  }
0x98: {  	_ =	strace s5  }
0x99: {  	_ =	strace $0x8FFFFFFF  }
0x9a: {  	s20 =	sld [smem:$0x3FDB];
	_ =	sdelay $0x1  }
0x9b: {  	s6 =	simm.s32 $_scs_section_size  }
0x9c: {  	s7 =	simm.s32 $_size__tile_overlayer_lowered;
	s8 =	simm.s32 $_tile_overlayer_lowered  }
0x9d: {  	s23 =	simm.s32 $0x1BFF;
	s22 =	sshll.u32 s8, $0x1;
	s5 =	sadd.s32 s6, s20  }
0x9e: {  	s9 =	simm.s32 $0x0;
	s21 =	sshll.u32 s7, $0x1;
	s7 =	sadd.s32 s22, s5  }
0x9f: {  	[timem:s9], [sflag:s23] =	dma.local [hbm:s7], s21  }
0xa0: {  	_ =	swait.ge [sflag:s23], s21  }
0xa1: {  	s6 =	ssub.s32 $0x0, s21;
	[sflag:s23] =	ssyncset.done $0x0  }
0xa2: {  	[sflag:s23] =	ssyncadd.s32 s6;
	_ =	sdelay $0x1  }
0xa3: {  	s24 =	simm.s32 $0x1B8B  }
0xa4: {  	_ =	swait.ge [sflag:s24], $0x1  }
0xa5: {  	[sflag:s24] =	ssyncset.done $0x0  }
0xa6: {  	s25 =	simm.s32 $0x1B8E;
	[sflag:s24] =	ssyncadd.s32 $0xFFFFFFFF  }
0xa7: {  	s26 =	simm.s32 $execute0_lowered;
	[smem:$0x3FD2] =	sst s25  }
0xa8: {  	s6 =	sshll.u32 s26, $0x1;
	_ =	strace $0x80000046;
	[dreg:$0x1] =	wrdreg $0xFFFFFFFF  }
0xa9: {  	s28 =	simm.s32 $_size_execute0_lowered;
	s5 =	sadd.s32 s5, s6;
	[dreg:$0x0] =	wrdreg $0x0  }
0xaa: {  	s6 =	sshll.u32 s28, $0x1;
	[dreg:$0x2] =	wrdreg s5  }
0xab: {  	[dreg:$0x3] =	wrdreg s6  }
0xac: {  	[dreg:$0x4] =	wrdreg $0xC0  }
0xad: {  	_ =	task [dreg:s9], $0x5FFFF  }
0xae: {  	[dreg:$0x1] =	wrdreg $0xFFFFFFFF  }
0xaf: {  	[dreg:$0x0] =	wrdreg $0x60  }
0xb0: {  	[dreg:$0x2] =	wrdreg s19  }
0xb1: {  	[dreg:$0x3] =	wrdreg s2  }
0xb2: {  	[dreg:$0x4] =	wrdreg s4  }
0xb3: {  	[dreg:$0x5] =	wrdreg $0x9  }
0xb4: {  	_ =	task.clear_ibuf [dreg:s9], $0x6FFFF;
	_ =	strace $0x90000046  }
0xb5: {  	s29 =	simm.s32 $0x9;
	_ =	strace $0x80000048  }
0xb6: {  	_ =	swait.ge [sflag:s29], $0x1  }
0xb7: {  	[sflag:s29] =	ssyncadd.s32 $0xFFFFFFFF  }
0xb8: {  	_ =	strace $0x90000048  }
0xb9: {  	_ =	sfence  }
0xba: {  	s30 =	sld [smem:$0x0];
	_ =	sdelay $0x2  }
0xbb: {  	s31 =	sshll.u32 s1, $0xD;
	s1 =	sshrl.u32 s1, $0x2  }
0xbc: {  	s3 =	sand.u32 $0x4000, s31;
	s1 =	sadd.s32 s1, s30  }
0xbd: {  	s0 =	sor.u32 s3, s0;
	s1 =	sshll.u32 s1, $0x11  }
0xbe: {  	s0 =	sor.u32 s1, s0  }
0xbf: {  	s0 =	sadd.s32 $0x8F2B, s0  }
0xc0: {  	[sflag:s0] =	ssyncadd.remote.s32 $0x1  }
0xc1: {  	_ =	sfence.sel $0xFFFF  }
0xc2: {  	[dreg:$0x0] =	wrdreg $0xFFFFFFFF;
	(pc) =	sbr.abs _section_cstart, $3  }
0xc3: {  	[dreg:$0x1] =	wrdreg $0xFFFFFFFF  }
0xc4: {  	_ =	task.clear_ibuf [dreg:s9], $0x2FFFF;
	_ =	strace $0x9FFFFFFF  }
0xc5: {  	(tm) =	ssettm $0x7FFFFFFF  }
tec
execute0_lowered:
.L_overlay_start_1:
0x0: {  	(tag) =	ssettag $0x1  }
0x1: {  	s1 =	rddreg [dreg:$0x0]  }
0x2: {  	s0 =	rddreg [dreg:$0x1]  }
0x3: {  	s2 =	rddreg [dreg:$0x2]  }
0x4: {  	s3 =	simm.s32 $0x0;
	s4 =	srdreg.scid;
	s20 =	stileid.u32  }
0x5: {  	s31 =	simm.s32 $0x1100;
	s30 =	simm.s32 $0x2100;
	s28 =	simm.s32 $0x2  }
0x6: {  	s29 =	simm.s32 $0x5;
	[smem:$0x7FF] =	sst s3;
	s4 =	sand.u32 $0x1, s4  }
0x7: {  	s5 =	sshll.u32 s20, $0x1;
	s22 =	sshll.u32 s20, $0x2;
	s9 =	sadd.s32 $0x500, s1  }
0x8: {  	s10 =	sadd.s32 $0x600, s1;
	s11 =	sadd.s32 $0x700, s1;
	s12 =	sadd.s32 $0x800, s1  }
0x9: {  	s13 =	sadd.s32 $0x900, s1;
	s14 =	sadd.s32 $0xA00, s1;
	s15 =	sadd.s32 $0xB00, s1  }
0xa: {  	s16 =	sadd.s32 $0xC00, s1;
	s17 =	sadd.s32 $0xD00, s1;
	s18 =	sadd.s32 $0xE00, s1  }
0xb: {  	s24 =	sshll.u32 s20, $0x12;
	s20 =	sadd.s32 $0xF00, s1;
	_ =	strace $0x80000047  }
0xc: {  	s19 =	sor.u32 s4, s5;
	s6 =	ssub.s32 $0x2, s4;
	s5 =	sand.u32 $0x30, s22  }
0xd: {  	s25 =	sadd.s32 s24, s2;
	s26 =	sshll.u32 s4, $0x11;
	s4 =	simm.s32 $0x3  }
0xe: {  	s7 =	sshll.u32 s19, $0x7;
	s8 =	sshrl.u32 s6, $0x1;
	s0 =	sadd.s32 s0, s5  }
0xf: {  	s5 =	sadd.s32 $0x100, s1;
	s23 =	sshll.u32 s19, $0x11;
	s7 =	sand.u32 $0x380, s7  }
0x10: {  	s21 =	ssub.s32 s6, s8;
	s6 =	sadd.s32 $0x200, s1;
	s22 =	sadd.s32 s2, s23  }
0x11: {  	s8 =	sadd.s32 $0x400, s1;
	s0 =	sadd.s32 s7, s0;
	[dreg:$0x6] =	wrdreg s22  }
0x12: {  	s2 =	simm.s32 $0x1900;
	s19 =	sadd.s32 $0x1000, s22;
	[dreg:$0x5] =	wrdreg s0  }
0x13: {  	s7 =	sadd.s32 $0x300, s1;
	s23 =	sadd.s32 $0x2000, s22;
	[dreg:$0x7] =	wrdreg s19  }
0x14: {  	s24 =	sadd.s32 $0x1E000, s22;
	s0 =	sadd.s32 s26, s25;
	[dreg:$0x8] =	wrdreg s23  }
0x15: {  	[dreg:$0x9] =	wrdreg s24;
	s25 =	sadd.s32 $0x1F000, s22;
	s26 =	smax.u32 s21, $0x1  }
0x16: {  	v0 =	vlaneseq.u32;
	s21 =	simm.s32 $0x2900;
	s19 =	simm.s32 $0x1;
	[dreg:$0x4] =	wrdreg s0  }
0x17: {  	v1 =	vshrl.u32 v0, $0x3;
	s24 =	simm.s32 $0x4;
	s22 =	simm.s32 $0x6;
	[dreg:$0xa] =	wrdreg s25  }
0x18: {  	vm0 =	vmmov $0xffff;
	v0 =	vand.u32 $0x7, v0;
	v1 =	vmul.u32 $0x8, v1;
	s23 =	simm.s32 $0x0;
	[dreg:$0xb] =	wrdreg s26;
	s26 =	simm.s32 $0x900  }
.LBB2_1:
0x19: {  	[dreg:$0xc] =	wrdreg s23  }
0x1a: {  	s0 =	rddreg [dreg:$0x5];
	s23 =	simm.s32 $0x80;
	s25 =	simm.s32 $0x200  }
0x1b: {  	[tilespmem:s3], [sflag:$0x7] =	stream.strided.gather [hbm4b:s0+s23], $0x100, s25, s23, $0x38;
	[tilespmem:$0x18100] =	vst v63  }
0x1c: {  	s25 =	simm.s32 $0x7  }
0x1d: {  	_ =	swait.ge [sflag:s25], $0x100  }
0x1e: {  	[sflag:s25] =	ssyncset.done $0x0  }
0x1f: {  	[sflag:s25] =	ssyncadd.s32 $0xFFFFFF00  }
0x20: {  	v2 =	vld.msk [tilespmem:$0x0], $0xff;
	_ =	sdelay $0x4  }
0x21: {  	v3 =	vshll.u32 v2, $0x5  }
0x22: {  	v2 =	vand.u32 $0x7, v2;
	v3 =	vand.u32 $0xFFFFFF00, v3  }
0x23: {  	v2 =	vor.u32 v2, v3  }
0x24: {  	v2 =	vperm.xlane v2, v0;
	_ =	sdelay $0x1  }
0x25: {  	v2 =	vadd.s32 v1, v2;
	_ =	sdelay $0x3  }
0x26: {  	s23 =	simm.s32 $0x100  }
0x27: {  	[tilespmem:s23], [sflag:$0x1] =	stream.indirect_vreg.gather [hbm4b:s1+s3], $0x80, v2, vm0, $0xb8;
	[tilespmem:$0x18100] =	vst v63  }
0x28: {  	_ = 	snop  }
0x29: {  	[tilespmem:s26], [sflag:$0x1] =	stream.indirect_vreg.gather [hbm4b:s5+s3], $0x80, v2, vm0, $0xb8;
	[tilespmem:$0x18100] =	vst v63  }
0x2a: {  	_ = 	snop  }
0x2b: {  	[tilespmem:s31], [sflag:$0x1] =	stream.indirect_vreg.gather [hbm4b:s6+s3], $0x80, v2, vm0, $0xb8;
	[tilespmem:$0x18100] =	vst v63  }
0x2c: {  	_ = 	snop  }
0x2d: {  	[tilespmem:s2], [sflag:$0x1] =	stream.indirect_vreg.gather [hbm4b:s7+s3], $0x80, v2, vm0, $0xb8;
	[tilespmem:$0x18100] =	vst v63  }
0x2e: {  	_ = 	snop  }
0x2f: {  	[tilespmem:s30], [sflag:$0x1] =	stream.indirect_vreg.gather [hbm4b:s8+s3], $0x80, v2, vm0, $0xb8;
	[tilespmem:$0x18100] =	vst v63  }
0x30: {  	_ = 	snop  }
0x31: {  	[tilespmem:s21], [sflag:$0x1] =	stream.indirect_vreg.gather [hbm4b:s9+s3], $0x80, v2, vm0, $0xb8;
	[tilespmem:$0x18100] =	vst v63  }
0x32: {  	s26 =	simm.s32 $0x3100  }
0x33: {  	[tilespmem:s26], [sflag:$0x1] =	stream.indirect_vreg.gather [hbm4b:s10+s3], $0x80, v2, vm0, $0xb8;
	[tilespmem:$0x18100] =	vst v63  }
0x34: {  	s25 =	simm.s32 $0x3900  }
0x35: {  	[tilespmem:s25], [sflag:$0x1] =	stream.indirect_vreg.gather [hbm4b:s11+s3], $0x80, v2, vm0, $0xb8;
	[tilespmem:$0x18100] =	vst v63  }
0x36: {  	s26 =	simm.s32 $0x4100  }
0x37: {  	[tilespmem:s26], [sflag:$0x1] =	stream.indirect_vreg.gather [hbm4b:s12+s3], $0x80, v2, vm0, $0xb8;
	[tilespmem:$0x18100] =	vst v63  }
0x38: {  	s25 =	simm.s32 $0x4900  }
0x39: {  	[tilespmem:s25], [sflag:$0x1] =	stream.indirect_vreg.gather [hbm4b:s13+s3], $0x80, v2, vm0, $0xb8;
	[tilespmem:$0x18100] =	vst v63  }
0x3a: {  	s26 =	simm.s32 $0x5100  }
0x3b: {  	[tilespmem:s26], [sflag:$0x1] =	stream.indirect_vreg.gather [hbm4b:s14+s3], $0x80, v2, vm0, $0xb8;
	[tilespmem:$0x18100] =	vst v63  }
0x3c: {  	s25 =	simm.s32 $0x5900  }
0x3d: {  	[tilespmem:s25], [sflag:$0x1] =	stream.indirect_vreg.gather [hbm4b:s15+s3], $0x80, v2, vm0, $0xb8;
	[tilespmem:$0x18100] =	vst v63  }
0x3e: {  	s26 =	simm.s32 $0x6100  }
0x3f: {  	[tilespmem:s26], [sflag:$0x1] =	stream.indirect_vreg.gather [hbm4b:s16+s3], $0x80, v2, vm0, $0xb8;
	[tilespmem:$0x18100] =	vst v63  }
0x40: {  	s25 =	simm.s32 $0x6900  }
0x41: {  	[tilespmem:s25], [sflag:$0x1] =	stream.indirect_vreg.gather [hbm4b:s17+s3], $0x80, v2, vm0, $0xb8;
	[tilespmem:$0x18100] =	vst v63  }
0x42: {  	s26 =	simm.s32 $0x7100  }
0x43: {  	[tilespmem:s26], [sflag:$0x1] =	stream.indirect_vreg.gather [hbm4b:s18+s3], $0x80, v2, vm0, $0xb8;
	[tilespmem:$0x18100] =	vst v63  }
0x44: {  	s25 =	simm.s32 $0x7900  }
0x45: {  	[tilespmem:s25], [sflag:$0x1] =	stream.indirect_vreg.gather [hbm4b:s20+s3], $0x80, v2, vm0, $0xb8;
	[tilespmem:$0x18100] =	vst v63  }
0x46: {  	v2 =	vld.msk [tilespmem:$0x8], $0xff;
	_ =	sdelay $0x4  }
0x47: {  	v3 =	vshll.u32 v2, $0x5  }
0x48: {  	v2 =	vand.u32 $0x7, v2;
	v3 =	vand.u32 $0xFFFFFF00, v3  }
0x49: {  	v2 =	vor.u32 v2, v3  }
0x4a: {  	v2 =	vperm.xlane v2, v0;
	_ =	sdelay $0x1  }
0x4b: {  	v2 =	vadd.s32 v1, v2;
	_ =	sdelay $0x3  }
0x4c: {  	s25 =	simm.s32 $0x8100  }
0x4d: {  	[tilespmem:s25], [sflag:$0x2] =	stream.indirect_vreg.gather [hbm4b:s1+s3], $0x80, v2, vm0, $0xb8;
	[tilespmem:$0x18100] =	vst v63  }
0x4e: {  	s26 =	simm.s32 $0x8900  }
0x4f: {  	[tilespmem:s26], [sflag:$0x2] =	stream.indirect_vreg.gather [hbm4b:s5+s3], $0x80, v2, vm0, $0xb8;
	[tilespmem:$0x18100] =	vst v63  }
0x50: {  	s26 =	simm.s32 $0x9100  }
0x51: {  	[tilespmem:s26], [sflag:$0x2] =	stream.indirect_vreg.gather [hbm4b:s6+s3], $0x80, v2, vm0, $0xb8;
	[tilespmem:$0x18100] =	vst v63  }
0x52: {  	s26 =	simm.s32 $0x9900  }
0x53: {  	[tilespmem:s26], [sflag:$0x2] =	stream.indirect_vreg.gather [hbm4b:s7+s3], $0x80, v2, vm0, $0xb8;
	[tilespmem:$0x18100] =	vst v63  }
0x54: {  	s26 =	simm.s32 $0xA100  }
0x55: {  	[tilespmem:s26], [sflag:$0x2] =	stream.indirect_vreg.gather [hbm4b:s8+s3], $0x80, v2, vm0, $0xb8;
	[tilespmem:$0x18100] =	vst v63  }
0x56: {  	s26 =	simm.s32 $0xA900  }
0x57: {  	[tilespmem:s26], [sflag:$0x2] =	stream.indirect_vreg.gather [hbm4b:s9+s3], $0x80, v2, vm0, $0xb8;
	[tilespmem:$0x18100] =	vst v63  }
0x58: {  	s26 =	simm.s32 $0xB100  }
0x59: {  	[tilespmem:s26], [sflag:$0x2] =	stream.indirect_vreg.gather [hbm4b:s10+s3], $0x80, v2, vm0, $0xb8;
	[tilespmem:$0x18100] =	vst v63  }
0x5a: {  	s26 =	simm.s32 $0xB900  }
0x5b: {  	[tilespmem:s26], [sflag:$0x2] =	stream.indirect_vreg.gather [hbm4b:s11+s3], $0x80, v2, vm0, $0xb8;
	[tilespmem:$0x18100] =	vst v63  }
0x5c: {  	s26 =	simm.s32 $0xC100  }
0x5d: {  	[tilespmem:s26], [sflag:$0x2] =	stream.indirect_vreg.gather [hbm4b:s12+s3], $0x80, v2, vm0, $0xb8;
	[tilespmem:$0x18100] =	vst v63  }
0x5e: {  	s26 =	simm.s32 $0xC900  }
0x5f: {  	[tilespmem:s26], [sflag:$0x2] =	stream.indirect_vreg.gather [hbm4b:s13+s3], $0x80, v2, vm0, $0xb8;
	[tilespmem:$0x18100] =	vst v63  }
0x60: {  	s26 =	simm.s32 $0xD100  }
0x61: {  	[tilespmem:s26], [sflag:$0x2] =	stream.indirect_vreg.gather [hbm4b:s14+s3], $0x80, v2, vm0, $0xb8;
	[tilespmem:$0x18100] =	vst v63  }
0x62: {  	s26 =	simm.s32 $0xD900  }
0x63: {  	[tilespmem:s26], [sflag:$0x2] =	stream.indirect_vreg.gather [hbm4b:s15+s3], $0x80, v2, vm0, $0xb8;
	[tilespmem:$0x18100] =	vst v63  }
0x64: {  	s26 =	simm.s32 $0xE100  }
0x65: {  	[tilespmem:s26], [sflag:$0x2] =	stream.indirect_vreg.gather [hbm4b:s16+s3], $0x80, v2, vm0, $0xb8;
	[tilespmem:$0x18100] =	vst v63  }
0x66: {  	s26 =	simm.s32 $0xE900  }
0x67: {  	[tilespmem:s26], [sflag:$0x2] =	stream.indirect_vreg.gather [hbm4b:s17+s3], $0x80, v2, vm0, $0xb8;
	[tilespmem:$0x18100] =	vst v63  }
0x68: {  	s26 =	simm.s32 $0xF100  }
0x69: {  	[tilespmem:s26], [sflag:$0x2] =	stream.indirect_vreg.gather [hbm4b:s18+s3], $0x80, v2, vm0, $0xb8;
	[tilespmem:$0x18100] =	vst v63  }
0x6a: {  	s26 =	simm.s32 $0xF900  }
0x6b: {  	[tilespmem:s26], [sflag:$0x2] =	stream.indirect_vreg.gather [hbm4b:s20+s3], $0x80, v2, vm0, $0xb8;
	[tilespmem:$0x18100] =	vst v63  }
0x6c: {  	v2 =	vld.msk [tilespmem:$0x10], $0xff;
	_ =	sdelay $0x4  }
0x6d: {  	v3 =	vshll.u32 v2, $0x5  }
0x6e: {  	v2 =	vand.u32 $0x7, v2;
	v3 =	vand.u32 $0xFFFFFF00, v3  }
0x6f: {  	v2 =	vor.u32 v2, v3  }
0x70: {  	v2 =	vperm.xlane v2, v0;
	_ =	sdelay $0x1  }
0x71: {  	v2 =	vadd.s32 v1, v2;
	_ =	sdelay $0x3  }
0x72: {  	s26 =	simm.s32 $0x10100  }
0x73: {  	[tilespmem:s26], [sflag:$0x3] =	stream.indirect_vreg.gather [hbm4b:s1+s3], $0x80, v2, vm0, $0xb8;
	[tilespmem:$0x18100] =	vst v63  }
0x74: {  	s0 =	simm.s32 $0x10900  }
0x75: {  	[tilespmem:s0], [sflag:$0x3] =	stream.indirect_vreg.gather [hbm4b:s5+s3], $0x80, v2, vm0, $0xb8;
	[tilespmem:$0x18100] =	vst v63  }
0x76: {  	s0 =	simm.s32 $0x11100  }
0x77: {  	[tilespmem:s0], [sflag:$0x3] =	stream.indirect_vreg.gather [hbm4b:s6+s3], $0x80, v2, vm0, $0xb8;
	[tilespmem:$0x18100] =	vst v63  }
0x78: {  	s0 =	simm.s32 $0x11900  }
0x79: {  	[tilespmem:s0], [sflag:$0x3] =	stream.indirect_vreg.gather [hbm4b:s7+s3], $0x80, v2, vm0, $0xb8;
	[tilespmem:$0x18100] =	vst v63  }
0x7a: {  	s0 =	simm.s32 $0x12100  }
0x7b: {  	[tilespmem:s0], [sflag:$0x3] =	stream.indirect_vreg.gather [hbm4b:s8+s3], $0x80, v2, vm0, $0xb8;
	[tilespmem:$0x18100] =	vst v63  }
0x7c: {  	s0 =	simm.s32 $0x12900  }
0x7d: {  	[tilespmem:s0], [sflag:$0x3] =	stream.indirect_vreg.gather [hbm4b:s9+s3], $0x80, v2, vm0, $0xb8;
	[tilespmem:$0x18100] =	vst v63  }
0x7e: {  	s0 =	simm.s32 $0x13100  }
0x7f: {  	[tilespmem:s0], [sflag:$0x3] =	stream.indirect_vreg.gather [hbm4b:s10+s3], $0x80, v2, vm0, $0xb8;
	[tilespmem:$0x18100] =	vst v63  }
0x80: {  	s0 =	simm.s32 $0x13900  }
0x81: {  	[tilespmem:s0], [sflag:$0x3] =	stream.indirect_vreg.gather [hbm4b:s11+s3], $0x80, v2, vm0, $0xb8;
	[tilespmem:$0x18100] =	vst v63  }
0x82: {  	s0 =	simm.s32 $0x14100  }
0x83: {  	[tilespmem:s0], [sflag:$0x3] =	stream.indirect_vreg.gather [hbm4b:s12+s3], $0x80, v2, vm0, $0xb8;
	[tilespmem:$0x18100] =	vst v63  }
0x84: {  	s0 =	simm.s32 $0x14900  }
0x85: {  	[tilespmem:s0], [sflag:$0x3] =	stream.indirect_vreg.gather [hbm4b:s13+s3], $0x80, v2, vm0, $0xb8;
	[tilespmem:$0x18100] =	vst v63  }
0x86: {  	s0 =	simm.s32 $0x15100  }
0x87: {  	[tilespmem:s0], [sflag:$0x3] =	stream.indirect_vreg.gather [hbm4b:s14+s3], $0x80, v2, vm0, $0xb8;
	[tilespmem:$0x18100] =	vst v63  }
0x88: {  	s0 =	simm.s32 $0x15900  }
0x89: {  	[tilespmem:s0], [sflag:$0x3] =	stream.indirect_vreg.gather [hbm4b:s15+s3], $0x80, v2, vm0, $0xb8;
	[tilespmem:$0x18100] =	vst v63  }
0x8a: {  	s0 =	simm.s32 $0x16100  }
0x8b: {  	[tilespmem:s0], [sflag:$0x3] =	stream.indirect_vreg.gather [hbm4b:s16+s3], $0x80, v2, vm0, $0xb8;
	[tilespmem:$0x18100] =	vst v63  }
0x8c: {  	s0 =	simm.s32 $0x16900  }
0x8d: {  	[tilespmem:s0], [sflag:$0x3] =	stream.indirect_vreg.gather [hbm4b:s17+s3], $0x80, v2, vm0, $0xb8;
	[tilespmem:$0x18100] =	vst v63  }
0x8e: {  	s0 =	simm.s32 $0x17100  }
0x8f: {  	[tilespmem:s0], [sflag:$0x3] =	stream.indirect_vreg.gather [hbm4b:s18+s3], $0x80, v2, vm0, $0xb8;
	[tilespmem:$0x18100] =	vst v63  }
0x90: {  	s0 =	simm.s32 $0x17900  }
0x91: {  	[tilespmem:s0], [sflag:$0x3] =	stream.indirect_vreg.gather [hbm4b:s20+s3], $0x80, v2, vm0, $0xb8;
	[tilespmem:$0x18100] =	vst v63  }
0x92: {  	_ =	swait.ge [sflag:s19], $0x8000  }
0x93: {  	[sflag:s19] =	ssyncset.done $0x0  }
0x94: {  	s0 =	rddreg [dreg:$0x6];
	[sflag:s19] =	ssyncadd.s32 $0xFFFF8000  }
0x95: {  	[hbm4b:s0+s3] =	stream.linear.scatter [tilespmem:s23], [sflag:$0x4], $0x8000, $0x38;
	[tilespmem:$0x18100] =	vst v63  }
0x96: {  	_ =	swait.ge [sflag:s28], $0x8000  }
0x97: {  	[sflag:s28] =	ssyncset.done $0x0  }
0x98: {  	[sflag:s28] =	ssyncadd.s32 $0xFFFF8000  }
0x99: {  	_ =	swait.ge [sflag:s24], $0x8000  }
0x9a: {  	[sflag:s24] =	ssyncset.done $0x0  }
0x9b: {  	[sflag:s24] =	ssyncadd.s32 $0xFFFF8000  }
0x9c: {  	v2 =	vld.msk [tilespmem:$0x18], $0xff;
	_ =	sdelay $0x4  }
0x9d: {  	v3 =	vshll.u32 v2, $0x5  }
0x9e: {  	v2 =	vand.u32 $0x7, v2;
	v3 =	vand.u32 $0xFFFFFF00, v3  }
0x9f: {  	v2 =	vor.u32 v2, v3  }
0xa0: {  	v2 =	vperm.xlane v2, v0;
	_ =	sdelay $0x1  }
0xa1: {  	v2 =	vadd.s32 v1, v2;
	_ =	sdelay $0x4  }
0xa2: {  	[tilespmem:s23], [sflag:$0x1] =	stream.indirect_vreg.gather [hbm4b:s1+s3], $0x80, v2, vm0, $0xb8;
	[tilespmem:$0x18100] =	vst v63  }
0xa3: {  	s23 =	simm.s32 $0x900  }
0xa4: {  	[tilespmem:s23], [sflag:$0x1] =	stream.indirect_vreg.gather [hbm4b:s5+s3], $0x80, v2, vm0, $0xb8;
	[tilespmem:$0x18100] =	vst v63  }
0xa5: {  	_ = 	snop  }
0xa6: {  	[tilespmem:s31], [sflag:$0x1] =	stream.indirect_vreg.gather [hbm4b:s6+s3], $0x80, v2, vm0, $0xb8;
	[tilespmem:$0x18100] =	vst v63  }
0xa7: {  	_ = 	snop  }
0xa8: {  	[tilespmem:s2], [sflag:$0x1] =	stream.indirect_vreg.gather [hbm4b:s7+s3], $0x80, v2, vm0, $0xb8;
	[tilespmem:$0x18100] =	vst v63  }
0xa9: {  	_ = 	snop  }
0xaa: {  	[tilespmem:s30], [sflag:$0x1] =	stream.indirect_vreg.gather [hbm4b:s8+s3], $0x80, v2, vm0, $0xb8;
	[tilespmem:$0x18100] =	vst v63  }
0xab: {  	_ = 	snop  }
0xac: {  	[tilespmem:s21], [sflag:$0x1] =	stream.indirect_vreg.gather [hbm4b:s9+s3], $0x80, v2, vm0, $0xb8;
	[tilespmem:$0x18100] =	vst v63  }
0xad: {  	s2 =	simm.s32 $0x3100  }
0xae: {  	[tilespmem:s2], [sflag:$0x1] =	stream.indirect_vreg.gather [hbm4b:s10+s3], $0x80, v2, vm0, $0xb8;
	[tilespmem:$0x18100] =	vst v63  }
0xaf: {  	s21 =	simm.s32 $0x3900  }
0xb0: {  	[tilespmem:s21], [sflag:$0x1] =	stream.indirect_vreg.gather [hbm4b:s11+s3], $0x80, v2, vm0, $0xb8;
	[tilespmem:$0x18100] =	vst v63  }
0xb1: {  	s23 =	simm.s32 $0x4100  }
0xb2: {  	[tilespmem:s23], [sflag:$0x1] =	stream.indirect_vreg.gather [hbm4b:s12+s3], $0x80, v2, vm0, $0xb8;
	[tilespmem:$0x18100] =	vst v63  }
0xb3: {  	s30 =	simm.s32 $0x4900  }
0xb4: {  	[tilespmem:s30], [sflag:$0x1] =	stream.indirect_vreg.gather [hbm4b:s13+s3], $0x80, v2, vm0, $0xb8;
	[tilespmem:$0x18100] =	vst v63  }
0xb5: {  	s2 =	simm.s32 $0x5100  }
0xb6: {  	[tilespmem:s2], [sflag:$0x1] =	stream.indirect_vreg.gather [hbm4b:s14+s3], $0x80, v2, vm0, $0xb8;
	[tilespmem:$0x18100] =	vst v63  }
0xb7: {  	s21 =	simm.s32 $0x5900  }
0xb8: {  	[tilespmem:s21], [sflag:$0x1] =	stream.indirect_vreg.gather [hbm4b:s15+s3], $0x80, v2, vm0, $0xb8;
	[tilespmem:$0x18100] =	vst v63  }
0xb9: {  	s23 =	simm.s32 $0x6100  }
0xba: {  	[tilespmem:s23], [sflag:$0x1] =	stream.indirect_vreg.gather [hbm4b:s16+s3], $0x80, v2, vm0, $0xb8;
	[tilespmem:$0x18100] =	vst v63  }
0xbb: {  	s30 =	simm.s32 $0x6900  }
0xbc: {  	[tilespmem:s30], [sflag:$0x1] =	stream.indirect_vreg.gather [hbm4b:s17+s3], $0x80, v2, vm0, $0xb8;
	[tilespmem:$0x18100] =	vst v63  }
0xbd: {  	s2 =	simm.s32 $0x7100  }
0xbe: {  	[tilespmem:s2], [sflag:$0x1] =	stream.indirect_vreg.gather [hbm4b:s18+s3], $0x80, v2, vm0, $0xb8;
	[tilespmem:$0x18100] =	vst v63  }
0xbf: {  	s21 =	simm.s32 $0x7900  }
0xc0: {  	[tilespmem:s21], [sflag:$0x1] =	stream.indirect_vreg.gather [hbm4b:s20+s3], $0x80, v2, vm0, $0xb8;
	[tilespmem:$0x18100] =	vst v63  }
0xc1: {  	s23 =	rddreg [dreg:$0x7]  }
0xc2: {  	[hbm4b:s23+s3] =	stream.linear.scatter [tilespmem:s25], [sflag:$0x5], $0x8000, $0x38;
	[tilespmem:$0x18100] =	vst v63  }
0xc3: {  	_ =	swait.ge [sflag:s4], $0x8000  }
0xc4: {  	[sflag:s4] =	ssyncset.done $0x0  }
0xc5: {  	[sflag:s4] =	ssyncadd.s32 $0xFFFF8000  }
0xc6: {  	_ =	swait.ge [sflag:s29], $0x8000  }
0xc7: {  	[sflag:s29] =	ssyncset.done $0x0  }
0xc8: {  	[sflag:s29] =	ssyncadd.s32 $0xFFFF8000  }
0xc9: {  	v2 =	vld.msk [tilespmem:$0x20], $0xff;
	_ =	sdelay $0x4  }
0xca: {  	v3 =	vshll.u32 v2, $0x5  }
0xcb: {  	v2 =	vand.u32 $0x7, v2;
	v3 =	vand.u32 $0xFFFFFF00, v3  }
0xcc: {  	v2 =	vor.u32 v2, v3  }
0xcd: {  	v2 =	vperm.xlane v2, v0;
	_ =	sdelay $0x1  }
0xce: {  	v2 =	vadd.s32 v1, v2;
	_ =	sdelay $0x4  }
0xcf: {  	[tilespmem:s25], [sflag:$0x2] =	stream.indirect_vreg.gather [hbm4b:s1+s3], $0x80, v2, vm0, $0xb8;
	[tilespmem:$0x18100] =	vst v63  }
0xd0: {  	s30 =	simm.s32 $0x8900  }
0xd1: {  	[tilespmem:s30], [sflag:$0x2] =	stream.indirect_vreg.gather [hbm4b:s5+s3], $0x80, v2, vm0, $0xb8;
	[tilespmem:$0x18100] =	vst v63  }
0xd2: {  	s2 =	simm.s32 $0x9100  }
0xd3: {  	[tilespmem:s2], [sflag:$0x2] =	stream.indirect_vreg.gather [hbm4b:s6+s3], $0x80, v2, vm0, $0xb8;
	[tilespmem:$0x18100] =	vst v63  }
0xd4: {  	s21 =	simm.s32 $0x9900  }
0xd5: {  	[tilespmem:s21], [sflag:$0x2] =	stream.indirect_vreg.gather [hbm4b:s7+s3], $0x80, v2, vm0, $0xb8;
	[tilespmem:$0x18100] =	vst v63  }
0xd6: {  	s23 =	simm.s32 $0xA100  }
0xd7: {  	[tilespmem:s23], [sflag:$0x2] =	stream.indirect_vreg.gather [hbm4b:s8+s3], $0x80, v2, vm0, $0xb8;
	[tilespmem:$0x18100] =	vst v63  }
0xd8: {  	s25 =	simm.s32 $0xA900  }
0xd9: {  	[tilespmem:s25], [sflag:$0x2] =	stream.indirect_vreg.gather [hbm4b:s9+s3], $0x80, v2, vm0, $0xb8;
	[tilespmem:$0x18100] =	vst v63  }
0xda: {  	s30 =	simm.s32 $0xB100  }
0xdb: {  	[tilespmem:s30], [sflag:$0x2] =	stream.indirect_vreg.gather [hbm4b:s10+s3], $0x80, v2, vm0, $0xb8;
	[tilespmem:$0x18100] =	vst v63  }
0xdc: {  	s2 =	simm.s32 $0xB900  }
0xdd: {  	[tilespmem:s2], [sflag:$0x2] =	stream.indirect_vreg.gather [hbm4b:s11+s3], $0x80, v2, vm0, $0xb8;
	[tilespmem:$0x18100] =	vst v63  }
0xde: {  	s21 =	simm.s32 $0xC100  }
0xdf: {  	[tilespmem:s21], [sflag:$0x2] =	stream.indirect_vreg.gather [hbm4b:s12+s3], $0x80, v2, vm0, $0xb8;
	[tilespmem:$0x18100] =	vst v63  }
0xe0: {  	s23 =	simm.s32 $0xC900  }
0xe1: {  	[tilespmem:s23], [sflag:$0x2] =	stream.indirect_vreg.gather [hbm4b:s13+s3], $0x80, v2, vm0, $0xb8;
	[tilespmem:$0x18100] =	vst v63  }
0xe2: {  	s25 =	simm.s32 $0xD100  }
0xe3: {  	[tilespmem:s25], [sflag:$0x2] =	stream.indirect_vreg.gather [hbm4b:s14+s3], $0x80, v2, vm0, $0xb8;
	[tilespmem:$0x18100] =	vst v63  }
0xe4: {  	s30 =	simm.s32 $0xD900  }
0xe5: {  	[tilespmem:s30], [sflag:$0x2] =	stream.indirect_vreg.gather [hbm4b:s15+s3], $0x80, v2, vm0, $0xb8;
	[tilespmem:$0x18100] =	vst v63  }
0xe6: {  	s2 =	simm.s32 $0xE100  }
0xe7: {  	[tilespmem:s2], [sflag:$0x2] =	stream.indirect_vreg.gather [hbm4b:s16+s3], $0x80, v2, vm0, $0xb8;
	[tilespmem:$0x18100] =	vst v63  }
0xe8: {  	s21 =	simm.s32 $0xE900  }
0xe9: {  	[tilespmem:s21], [sflag:$0x2] =	stream.indirect_vreg.gather [hbm4b:s17+s3], $0x80, v2, vm0, $0xb8;
	[tilespmem:$0x18100] =	vst v63  }
0xea: {  	s23 =	simm.s32 $0xF100  }
0xeb: {  	[tilespmem:s23], [sflag:$0x2] =	stream.indirect_vreg.gather [hbm4b:s18+s3], $0x80, v2, vm0, $0xb8;
	[tilespmem:$0x18100] =	vst v63  }
0xec: {  	s25 =	simm.s32 $0xF900  }
0xed: {  	[tilespmem:s25], [sflag:$0x2] =	stream.indirect_vreg.gather [hbm4b:s20+s3], $0x80, v2, vm0, $0xb8;
	[tilespmem:$0x18100] =	vst v63  }
0xee: {  	s31 =	simm.s32 $0x38;
	s30 =	rddreg [dreg:$0x8];
	s25 =	simm.s32 $0x0  }
0xef: {  	[hbm4b:s30+s3] =	stream.linear.scatter [tilespmem:s26], [sflag:$0x6], $0x8000, $0x38;
	[tilespmem:$0x18100] =	vst v63  }
.LBB2_2:
0xf0: {  	_ =	swait.ge [sflag:s19], $0x8000  }
0xf1: {  	s0 =	rddreg [dreg:$0x4]  }
0xf2: {  	[sflag:s19] =	ssyncset.done $0x0;
	s0 =	sadd.s32 s25, s0  }
0xf3: {  	s2 =	simm.s32 $0x100;
	[sflag:s19] =	ssyncadd.s32 $0xFFFF8000;
	s23 =	sadd.s32 $0x3000, s0  }
0xf4: {  	[hbm4b:s23+s3] =	stream.linear.scatter [tilespmem:s2], [sflag:$0x4], $0x8000, $0x38;
	[tilespmem:$0x18100] =	vst v63  }
0xf5: {  	_ =	swait.ge [sflag:s22], $0x8000  }
0xf6: {  	[sflag:s22] =	ssyncset.done $0x0  }
0xf7: {  	[sflag:s22] =	ssyncadd.s32 $0xFFFF8000  }
0xf8: {  	v2 =	vld.msk [tilespmem:s31+$0xFFFFFFF0], $0xff;
	_ =	sdelay $0x4  }
0xf9: {  	v3 =	vshll.u32 v2, $0x5  }
0xfa: {  	v2 =	vand.u32 $0x7, v2;
	v3 =	vand.u32 $0xFFFFFF00, v3  }
0xfb: {  	v2 =	vor.u32 v2, v3  }
0xfc: {  	v2 =	vperm.xlane v2, v0;
	_ =	sdelay $0x1  }
0xfd: {  	v2 =	vadd.s32 v1, v2;
	_ =	sdelay $0x4  }
0xfe: {  	[tilespmem:s26], [sflag:$0x3] =	stream.indirect_vreg.gather [hbm4b:s1+s3], $0x80, v2, vm0, $0xb8;
	[tilespmem:$0x18100] =	vst v63  }
0xff: {  	s21 =	simm.s32 $0x10900  }
0x100: {  	[tilespmem:s21], [sflag:$0x3] =	stream.indirect_vreg.gather [hbm4b:s5+s3], $0x80, v2, vm0, $0xb8;
	[tilespmem:$0x18100] =	vst v63  }
0x101: {  	s23 =	simm.s32 $0x11100  }
0x102: {  	[tilespmem:s23], [sflag:$0x3] =	stream.indirect_vreg.gather [hbm4b:s6+s3], $0x80, v2, vm0, $0xb8;
	[tilespmem:$0x18100] =	vst v63  }
0x103: {  	s23 =	simm.s32 $0x11900  }
0x104: {  	[tilespmem:s23], [sflag:$0x3] =	stream.indirect_vreg.gather [hbm4b:s7+s3], $0x80, v2, vm0, $0xb8;
	[tilespmem:$0x18100] =	vst v63  }
0x105: {  	s23 =	simm.s32 $0x12100  }
0x106: {  	[tilespmem:s23], [sflag:$0x3] =	stream.indirect_vreg.gather [hbm4b:s8+s3], $0x80, v2, vm0, $0xb8;
	[tilespmem:$0x18100] =	vst v63  }
0x107: {  	s23 =	simm.s32 $0x12900  }
0x108: {  	[tilespmem:s23], [sflag:$0x3] =	stream.indirect_vreg.gather [hbm4b:s9+s3], $0x80, v2, vm0, $0xb8;
	[tilespmem:$0x18100] =	vst v63  }
0x109: {  	s23 =	simm.s32 $0x13100  }
0x10a: {  	[tilespmem:s23], [sflag:$0x3] =	stream.indirect_vreg.gather [hbm4b:s10+s3], $0x80, v2, vm0, $0xb8;
	[tilespmem:$0x18100] =	vst v63  }
0x10b: {  	s23 =	simm.s32 $0x13900  }
0x10c: {  	[tilespmem:s23], [sflag:$0x3] =	stream.indirect_vreg.gather [hbm4b:s11+s3], $0x80, v2, vm0, $0xb8;
	[tilespmem:$0x18100] =	vst v63  }
0x10d: {  	s23 =	simm.s32 $0x14100  }
0x10e: {  	[tilespmem:s23], [sflag:$0x3] =	stream.indirect_vreg.gather [hbm4b:s12+s3], $0x80, v2, vm0, $0xb8;
	[tilespmem:$0x18100] =	vst v63  }
0x10f: {  	s23 =	simm.s32 $0x14900  }
0x110: {  	[tilespmem:s23], [sflag:$0x3] =	stream.indirect_vreg.gather [hbm4b:s13+s3], $0x80, v2, vm0, $0xb8;
	[tilespmem:$0x18100] =	vst v63  }
0x111: {  	s23 =	simm.s32 $0x15100  }
0x112: {  	[tilespmem:s23], [sflag:$0x3] =	stream.indirect_vreg.gather [hbm4b:s14+s3], $0x80, v2, vm0, $0xb8;
	[tilespmem:$0x18100] =	vst v63  }
0x113: {  	s23 =	simm.s32 $0x15900  }
0x114: {  	[tilespmem:s23], [sflag:$0x3] =	stream.indirect_vreg.gather [hbm4b:s15+s3], $0x80, v2, vm0, $0xb8;
	[tilespmem:$0x18100] =	vst v63  }
0x115: {  	s23 =	simm.s32 $0x16100  }
0x116: {  	[tilespmem:s23], [sflag:$0x3] =	stream.indirect_vreg.gather [hbm4b:s16+s3], $0x80, v2, vm0, $0xb8;
	[tilespmem:$0x18100] =	vst v63  }
0x117: {  	s23 =	simm.s32 $0x16900  }
0x118: {  	[tilespmem:s23], [sflag:$0x3] =	stream.indirect_vreg.gather [hbm4b:s17+s3], $0x80, v2, vm0, $0xb8;
	[tilespmem:$0x18100] =	vst v63  }
0x119: {  	s23 =	simm.s32 $0x17100  }
0x11a: {  	[tilespmem:s23], [sflag:$0x3] =	stream.indirect_vreg.gather [hbm4b:s18+s3], $0x80, v2, vm0, $0xb8;
	[tilespmem:$0x18100] =	vst v63  }
0x11b: {  	s23 =	simm.s32 $0x17900  }
0x11c: {  	[tilespmem:s23], [sflag:$0x3] =	stream.indirect_vreg.gather [hbm4b:s20+s3], $0x80, v2, vm0, $0xb8;
	[tilespmem:$0x18100] =	vst v63  }
0x11d: {  	_ =	swait.ge [sflag:s28], $0x8000  }
0x11e: {  	[sflag:s28] =	ssyncset.done $0x0  }
0x11f: {  	s21 =	simm.s32 $0x8100;
	s23 =	sadd.s32 $0x4000, s0;
	[sflag:s28] =	ssyncadd.s32 $0xFFFF8000  }
0x120: {  	[hbm4b:s23+s3] =	stream.linear.scatter [tilespmem:s21], [sflag:$0x5], $0x8000, $0x38;
	[tilespmem:$0x18100] =	vst v63  }
0x121: {  	_ =	swait.ge [sflag:s24], $0x8000  }
0x122: {  	[sflag:s24] =	ssyncset.done $0x0  }
0x123: {  	[sflag:s24] =	ssyncadd.s32 $0xFFFF8000  }
0x124: {  	v2 =	vld.msk [tilespmem:s31+$0xFFFFFFF8], $0xff;
	_ =	sdelay $0x4  }
0x125: {  	v3 =	vshll.u32 v2, $0x5  }
0x126: {  	v2 =	vand.u32 $0x7, v2;
	v3 =	vand.u32 $0xFFFFFF00, v3  }
0x127: {  	v2 =	vor.u32 v2, v3  }
0x128: {  	v2 =	vperm.xlane v2, v0;
	_ =	sdelay $0x1  }
0x129: {  	v2 =	vadd.s32 v1, v2;
	_ =	sdelay $0x4  }
0x12a: {  	[tilespmem:s2], [sflag:$0x1] =	stream.indirect_vreg.gather [hbm4b:s1+s3], $0x80, v2, vm0, $0xb8;
	[tilespmem:$0x18100] =	vst v63  }
0x12b: {  	s30 =	simm.s32 $0x900  }
0x12c: {  	[tilespmem:s30], [sflag:$0x1] =	stream.indirect_vreg.gather [hbm4b:s5+s3], $0x80, v2, vm0, $0xb8;
	[tilespmem:$0x18100] =	vst v63  }
0x12d: {  	s30 =	simm.s32 $0x1100  }
0x12e: {  	[tilespmem:s30], [sflag:$0x1] =	stream.indirect_vreg.gather [hbm4b:s6+s3], $0x80, v2, vm0, $0xb8;
	[tilespmem:$0x18100] =	vst v63  }
0x12f: {  	s2 =	simm.s32 $0x1900  }
0x130: {  	[tilespmem:s2], [sflag:$0x1] =	stream.indirect_vreg.gather [hbm4b:s7+s3], $0x80, v2, vm0, $0xb8;
	[tilespmem:$0x18100] =	vst v63  }
0x131: {  	s30 =	simm.s32 $0x2100  }
0x132: {  	[tilespmem:s30], [sflag:$0x1] =	stream.indirect_vreg.gather [hbm4b:s8+s3], $0x80, v2, vm0, $0xb8;
	[tilespmem:$0x18100] =	vst v63  }
0x133: {  	s30 =	simm.s32 $0x2900  }
0x134: {  	[tilespmem:s30], [sflag:$0x1] =	stream.indirect_vreg.gather [hbm4b:s9+s3], $0x80, v2, vm0, $0xb8;
	[tilespmem:$0x18100] =	vst v63  }
0x135: {  	s30 =	simm.s32 $0x3100  }
0x136: {  	[tilespmem:s30], [sflag:$0x1] =	stream.indirect_vreg.gather [hbm4b:s10+s3], $0x80, v2, vm0, $0xb8;
	[tilespmem:$0x18100] =	vst v63  }
0x137: {  	s30 =	simm.s32 $0x3900  }
0x138: {  	[tilespmem:s30], [sflag:$0x1] =	stream.indirect_vreg.gather [hbm4b:s11+s3], $0x80, v2, vm0, $0xb8;
	[tilespmem:$0x18100] =	vst v63  }
0x139: {  	s30 =	simm.s32 $0x4100  }
0x13a: {  	[tilespmem:s30], [sflag:$0x1] =	stream.indirect_vreg.gather [hbm4b:s12+s3], $0x80, v2, vm0, $0xb8;
	[tilespmem:$0x18100] =	vst v63  }
0x13b: {  	s30 =	simm.s32 $0x4900  }
0x13c: {  	[tilespmem:s30], [sflag:$0x1] =	stream.indirect_vreg.gather [hbm4b:s13+s3], $0x80, v2, vm0, $0xb8;
	[tilespmem:$0x18100] =	vst v63  }
0x13d: {  	s30 =	simm.s32 $0x5100  }
0x13e: {  	[tilespmem:s30], [sflag:$0x1] =	stream.indirect_vreg.gather [hbm4b:s14+s3], $0x80, v2, vm0, $0xb8;
	[tilespmem:$0x18100] =	vst v63  }
0x13f: {  	s30 =	simm.s32 $0x5900  }
0x140: {  	[tilespmem:s30], [sflag:$0x1] =	stream.indirect_vreg.gather [hbm4b:s15+s3], $0x80, v2, vm0, $0xb8;
	[tilespmem:$0x18100] =	vst v63  }
0x141: {  	s30 =	simm.s32 $0x6100  }
0x142: {  	[tilespmem:s30], [sflag:$0x1] =	stream.indirect_vreg.gather [hbm4b:s16+s3], $0x80, v2, vm0, $0xb8;
	[tilespmem:$0x18100] =	vst v63  }
0x143: {  	s30 =	simm.s32 $0x6900  }
0x144: {  	[tilespmem:s30], [sflag:$0x1] =	stream.indirect_vreg.gather [hbm4b:s17+s3], $0x80, v2, vm0, $0xb8;
	[tilespmem:$0x18100] =	vst v63  }
0x145: {  	s30 =	simm.s32 $0x7100  }
0x146: {  	[tilespmem:s30], [sflag:$0x1] =	stream.indirect_vreg.gather [hbm4b:s18+s3], $0x80, v2, vm0, $0xb8;
	[tilespmem:$0x18100] =	vst v63  }
0x147: {  	s30 =	simm.s32 $0x7900  }
0x148: {  	[tilespmem:s30], [sflag:$0x1] =	stream.indirect_vreg.gather [hbm4b:s20+s3], $0x80, v2, vm0, $0xb8;
	[tilespmem:$0x18100] =	vst v63  }
0x149: {  	_ =	swait.ge [sflag:s4], $0x8000  }
0x14a: {  	[sflag:s4] =	ssyncset.done $0x0  }
0x14b: {  	s0 =	sadd.s32 $0x5000, s0;
	[sflag:s4] =	ssyncadd.s32 $0xFFFF8000  }
0x14c: {  	[hbm4b:s0+s3] =	stream.linear.scatter [tilespmem:s26], [sflag:$0x6], $0x8000, $0x38;
	[tilespmem:$0x18100] =	vst v63  }
0x14d: {  	_ =	swait.ge [sflag:s29], $0x8000  }
0x14e: {  	[sflag:s29] =	ssyncset.done $0x0  }
0x14f: {  	[sflag:s29] =	ssyncadd.s32 $0xFFFF8000  }
0x150: {  	v2 =	vld.msk [tilespmem:s31+$0x0], $0xff;
	_ =	sdelay $0x4  }
0x151: {  	v3 =	vshll.u32 v2, $0x5  }
0x152: {  	v2 =	vand.u32 $0x7, v2;
	v3 =	vand.u32 $0xFFFFFF00, v3  }
0x153: {  	v2 =	vor.u32 v2, v3  }
0x154: {  	v2 =	vperm.xlane v2, v0;
	_ =	sdelay $0x1  }
0x155: {  	v2 =	vadd.s32 v1, v2;
	_ =	sdelay $0x4  }
0x156: {  	[tilespmem:s21], [sflag:$0x2] =	stream.indirect_vreg.gather [hbm4b:s1+s3], $0x80, v2, vm0, $0xb8;
	[tilespmem:$0x18100] =	vst v63  }
0x157: {  	s21 =	simm.s32 $0x8900  }
0x158: {  	[tilespmem:s21], [sflag:$0x2] =	stream.indirect_vreg.gather [hbm4b:s5+s3], $0x80, v2, vm0, $0xb8;
	[tilespmem:$0x18100] =	vst v63  }
0x159: {  	s21 =	simm.s32 $0x9100  }
0x15a: {  	[tilespmem:s21], [sflag:$0x2] =	stream.indirect_vreg.gather [hbm4b:s6+s3], $0x80, v2, vm0, $0xb8;
	[tilespmem:$0x18100] =	vst v63  }
0x15b: {  	s21 =	simm.s32 $0x9900  }
0x15c: {  	[tilespmem:s21], [sflag:$0x2] =	stream.indirect_vreg.gather [hbm4b:s7+s3], $0x80, v2, vm0, $0xb8;
	[tilespmem:$0x18100] =	vst v63  }
0x15d: {  	s21 =	simm.s32 $0xA100  }
0x15e: {  	[tilespmem:s21], [sflag:$0x2] =	stream.indirect_vreg.gather [hbm4b:s8+s3], $0x80, v2, vm0, $0xb8;
	[tilespmem:$0x18100] =	vst v63  }
0x15f: {  	s21 =	simm.s32 $0xA900  }
0x160: {  	[tilespmem:s21], [sflag:$0x2] =	stream.indirect_vreg.gather [hbm4b:s9+s3], $0x80, v2, vm0, $0xb8;
	[tilespmem:$0x18100] =	vst v63  }
0x161: {  	s21 =	simm.s32 $0xB100  }
0x162: {  	[tilespmem:s21], [sflag:$0x2] =	stream.indirect_vreg.gather [hbm4b:s10+s3], $0x80, v2, vm0, $0xb8;
	[tilespmem:$0x18100] =	vst v63  }
0x163: {  	s21 =	simm.s32 $0xB900  }
0x164: {  	[tilespmem:s21], [sflag:$0x2] =	stream.indirect_vreg.gather [hbm4b:s11+s3], $0x80, v2, vm0, $0xb8;
	[tilespmem:$0x18100] =	vst v63  }
0x165: {  	s21 =	simm.s32 $0xC100  }
0x166: {  	[tilespmem:s21], [sflag:$0x2] =	stream.indirect_vreg.gather [hbm4b:s12+s3], $0x80, v2, vm0, $0xb8;
	[tilespmem:$0x18100] =	vst v63  }
0x167: {  	s21 =	simm.s32 $0xC900  }
0x168: {  	[tilespmem:s21], [sflag:$0x2] =	stream.indirect_vreg.gather [hbm4b:s13+s3], $0x80, v2, vm0, $0xb8;
	[tilespmem:$0x18100] =	vst v63  }
0x169: {  	s21 =	simm.s32 $0xD100  }
0x16a: {  	[tilespmem:s21], [sflag:$0x2] =	stream.indirect_vreg.gather [hbm4b:s14+s3], $0x80, v2, vm0, $0xb8;
	[tilespmem:$0x18100] =	vst v63  }
0x16b: {  	s21 =	simm.s32 $0xD900  }
0x16c: {  	[tilespmem:s21], [sflag:$0x2] =	stream.indirect_vreg.gather [hbm4b:s15+s3], $0x80, v2, vm0, $0xb8;
	[tilespmem:$0x18100] =	vst v63  }
0x16d: {  	s21 =	simm.s32 $0xE100  }
0x16e: {  	[tilespmem:s21], [sflag:$0x2] =	stream.indirect_vreg.gather [hbm4b:s16+s3], $0x80, v2, vm0, $0xb8;
	[tilespmem:$0x18100] =	vst v63  }
0x16f: {  	p0 =	sne.s32 s25, $0x18000;
	s21 =	simm.s32 $0xE900  }
0x170: {  	[tilespmem:s21], [sflag:$0x2] =	stream.indirect_vreg.gather [hbm4b:s17+s3], $0x80, v2, vm0, $0xb8;
	[tilespmem:$0x18100] =	vst v63  }
.Ltmp0:
0x171: {  	_ = 	snop;
	(pc) =	sbr.rel @p0 .LBB2_2-.Ltmp0, $4  }
0x172: {  	s25 =	sadd.s32 $0x3000, s25;
	s23 =	simm.s32 $0x100;
	s21 =	simm.s32 $0xF100  }
0x173: {  	[tilespmem:s21], [sflag:$0x2] =	stream.indirect_vreg.gather [hbm4b:s18+s3], $0x80, v2, vm0, $0xb8;
	[tilespmem:$0x18100] =	vst v63  }
0x174: {  	s30 =	simm.s32 $0x8100;
	s31 =	sadd.s32 $0x18, s31;
	s21 =	simm.s32 $0xF900  }
0x175: {  	[tilespmem:s21], [sflag:$0x2] =	stream.indirect_vreg.gather [hbm4b:s20+s3], $0x80, v2, vm0, $0xb8;
	[tilespmem:$0x18100] =	vst v63  }
0x176: {  	_ =	swait.ge [sflag:s19], $0x8000  }
0x177: {  	[sflag:s19] =	ssyncset.done $0x0  }
0x178: {  	s0 =	rddreg [dreg:$0x9];
	[sflag:s19] =	ssyncadd.s32 $0xFFFF8000  }
0x179: {  	[hbm4b:s0+s3] =	stream.linear.scatter [tilespmem:s23], [sflag:$0x4], $0x8000, $0x38;
	[tilespmem:$0x18100] =	vst v63  }
0x17a: {  	_ =	swait.ge [sflag:s28], $0x8000  }
0x17b: {  	[sflag:s28] =	ssyncset.done $0x0  }
0x17c: {  	s23 =	rddreg [dreg:$0xa];
	[sflag:s28] =	ssyncadd.s32 $0xFFFF8000  }
0x17d: {  	[hbm4b:s23+s3] =	stream.linear.scatter [tilespmem:s30], [sflag:$0x5], $0x8000, $0x38;
	[tilespmem:$0x18100] =	vst v63  }
0x17e: {  	_ =	swait.ge [sflag:s22], $0x8000  }
0x17f: {  	[sflag:s22] =	ssyncset.done $0x0  }
0x180: {  	[sflag:s22] =	ssyncadd.s32 $0xFFFF8000  }
0x181: {  	_ =	swait.ge [sflag:s24], $0x8000  }
0x182: {  	[sflag:s24] =	ssyncset.done $0x0  }
0x183: {  	[sflag:s24] =	ssyncadd.s32 $0xFFFF8000  }
0x184: {  	_ =	swait.ge [sflag:s29], $0x8000  }
0x185: {  	s25 =	rddreg [dreg:$0xc]  }
0x186: {  	s26 =	rddreg [dreg:$0xb];
	s23 =	sadd.s32 $0x1, s25  }
0x187: {  	p0 =	sne.s32 s23, s26  }
.Ltmp1:
0x188: {  	_ = 	snop;
	(pc) =	sbr.rel @p0 .LBB2_1-.Ltmp1, $3  }
0x189: {  	_ =	sdelay $0x1  }
0x18a: {  	s31 =	simm.s32 $0x1100;
	s21 =	simm.s32 $0x2900;
	[sflag:s29] =	ssyncset.done $0x0  }
0x18b: {  	s30 =	simm.s32 $0x2100;
	[sflag:s29] =	ssyncadd.s32 $0xFFFF8000;
	s26 =	simm.s32 $0x900  }
0x18c: {  	_ =	sfence.sel $0x180000  }
0x18d: {  	[bflag:$0x0] =	sbarrier.arrive $0xFFFF  }
0x18e: {  	_ =	strace $0x90000047  }
0x18f: {  	s0 =	stileid.u32;
	[bflag:$0x2] =	sbarrier.arrive $0xFFFF  }
0x190: {  	p0 =	sne.s32 s0, $0x0;
	s0 =	rddreg [dreg:$0x3]  }
0x191: {  	s0 =	sadd.s32 @!p0 $0x100000, s0  }
0x192: {  	[sflag:s0] =	ssyncadd.tile.s32 @!p0 $0x1;
	_ =	shalt  }
.Lfunc_end2:
_tile_overlayer_lowered:
.L_overlay_start_2:
0x193: {  	(tag) =	ssettag $0x2  }
0x194: {  	s0 =	rddreg [dreg:$0x0];
	s2 =	stileid.u32  }
0x195: {  	s1 =	rddreg [dreg:$0x1];
	p0 =	sne.s32 s2, $0x0  }
0x196: {  	s3 =	rddreg [dreg:$0x2];
	[bflag:$0x3] =	sbarrier.arrive $0xFFFF;
	s2 =	simm.s32 @!p0 $0x1C07  }
0x197: {  	[timem:s3], [sflag:s2] =	dma.local @!p0 [hbm:s0], s1  }
0x198: {  	s0 =	simm.s32 @!p0 $0x7  }
0x199: {  	_ =	swait.ge @!p0 [sflag:s0], s1  }
0x19a: {  	s1 =	ssub.s32 @!p0 $0x0, s1;
	[sflag:s0] =	ssyncset.done @!p0 $0x0  }
0x19b: {  	[sflag:s0] =	ssyncadd.s32 @!p0 s1  }
0x19c: {  	[bflag:$0x3] =	sbarrier.arrive $0xFFFF  }
0x19d: {  	_ =	shalt  }

</sc_bundles>
